<compile_context>
chip_gen: v7x
topology: tpu7x:2x2x1
jax: 0.10.2.dev20260603
libtpu: 0.0.44.dev20260713+nightly
codegen_flags: <defaults>
</compile_context>

<pallas_src>
import functools

import jax
import jax.numpy as jnp
from jax import lax
from jax.experimental import pallas as pl
from jax.experimental.pallas import tpu as pltpu
from jax.experimental.pallas import tpu_sc as plsc

N = 10000
D = 128
K1 = 5
K2 = 10

B = 400
GRID = N // B

NC, NS = 2, 16
NW = NC * NS
G2 = N * K1
CG = 40
NCHUNK = G2 // CG
CH_PER_W = (NCHUNK + NW - 1) // NW


def _m2_sc_body(x2_hbm, m2_hbm, buf_in, buf_out):
    wid = lax.axis_index("s") * NC + lax.axis_index("c")

    def chunk_step(t, _):
        chunk = wid + NW * t

        @pl.when(chunk < NCHUNK)
        def _():
            g0 = chunk * CG
            pltpu.sync_copy(x2_hbm.at[pl.ds(g0 * K2, CG * K2)], buf_in)

            def group_step(i, _):
                for d in range(D // 16):
                    sl = pl.ds(16 * d, 16)
                    acc = buf_in[i * K2, sl]
                    for j in range(1, K2):
                        acc = acc + buf_in[i * K2 + j, sl]
                    buf_out[i, sl] = acc * (1.0 / K2)
                return 0

            lax.fori_loop(0, CG, group_step, 0)
            pltpu.sync_copy(buf_out, m2_hbm.at[pl.ds(g0, CG)])

        return 0

    lax.fori_loop(0, CH_PER_W, chunk_step, 0)


_m2_sc = functools.partial(
    pl.kernel,
    out_type=jax.ShapeDtypeStruct((G2, D), jnp.float32),
    mesh=plsc.VectorSubcoreMesh(core_axis_name="c", subcore_axis_name="s"),
    scratch_types=[
        pltpu.VMEM((CG * K2, D), jnp.float32),
        pltpu.VMEM((CG, D), jnp.float32),
    ],
)(_m2_sc_body)


def _tc_body(x0_ref, x1_ref, m2_ref, ws0_ref, wn0_ref, ws1_ref, wn1_ref,
             out_ref):
    f32 = jnp.float32
    ws0 = ws0_ref[...]
    wn0 = wn0_ref[...]

    m1 = None
    mh1 = None
    for j in range(K1):
        x1j = x1_ref[pl.Slice(j, B, K1), :]
        m2j = m2_ref[pl.Slice(j, B, K1), :]
        h1j = jnp.maximum(
            jnp.dot(x1j, ws0, preferred_element_type=f32)
            + jnp.dot(m2j, wn0, preferred_element_type=f32), 0.0)
        m1 = x1j if m1 is None else m1 + x1j
        mh1 = h1j if mh1 is None else mh1 + h1j

    h0 = jnp.maximum(
        jnp.dot(x0_ref[...], ws0, preferred_element_type=f32)
        + jnp.dot(m1 * (1.0 / K1), wn0, preferred_element_type=f32), 0.0)

    out_ref[...] = (
        jnp.dot(h0, ws1_ref[...], preferred_element_type=f32)
        + jnp.dot(mh1 * (1.0 / K1), wn1_ref[...], preferred_element_type=f32))


def kernel(x0, x1, x2, W_self0, W_neigh0, W_self1, W_neigh1):
    m2 = _m2_sc(x2)
    w_spec = pl.BlockSpec((D, D), lambda i: (0, 0))
    return pl.pallas_call(
        _tc_body,
        grid=(GRID,),
        in_specs=[
            pl.BlockSpec((B, D), lambda i: (i, 0)),
            pl.BlockSpec((K1 * B, D), lambda i: (i, 0)),
            pl.BlockSpec((K1 * B, D), lambda i: (i, 0)),
            w_spec, w_spec, w_spec, w_spec,
        ],
        out_specs=pl.BlockSpec((B, D), lambda i: (i, 0)),
        out_shape=jax.ShapeDtypeStruct((N, D), jnp.float32),
        compiler_params=pltpu.CompilerParams(
            dimension_semantics=("parallel",)),
    )(x0, x1, m2, W_self0, W_neigh0, W_self1, W_neigh1)

# --- scband reference (transcript-rebuilt; emitter-appended) ---
"""Pipeline reference for scband-graph-sage-75711683494056 (READ-ONLY COPY).

The authoritative reference and input builder live on the scoring server;
editing this copy changes nothing except your own understanding.
"""

import jax, jax.numpy as jnp
import numpy as np

N = 10000
D = 128
NUM_NEIGHBORS = [5, 10]


def setup_inputs(seed: int = 0) -> dict:
    key = jax.random.key(seed)
    ks = jax.random.split(key, 7)
    x0 = jax.random.normal(ks[0], (N, D), dtype=jnp.float32)
    x1 = jax.random.normal(ks[1], (N * NUM_NEIGHBORS[0], D), dtype=jnp.float32)
    x2 = jax.random.normal(ks[2], (N * NUM_NEIGHBORS[0] * NUM_NEIGHBORS[1], D), dtype=jnp.float32)
    # SageGCN layer 0: input_dim=128 -> hidden_dim[0]=128 (relu)
    W_self0 = jax.random.normal(ks[3], (D, 128), dtype=jnp.float32) * 0.05
    W_neigh0 = jax.random.normal(ks[4], (D, 128), dtype=jnp.float32) * 0.05
    # SageGCN layer 1: hidden_dim[0]=128 -> hidden_dim[1]=128 (no activation)
    W_self1 = jax.random.normal(ks[5], (128, 128), dtype=jnp.float32) * 0.05
    W_neigh1 = jax.random.normal(ks[6], (128, 128), dtype=jnp.float32) * 0.05
    return {
        "x0": x0,
        "x1": x1,
        "x2": x2,
        "W_self0": W_self0,
        "W_neigh0": W_neigh0,
        "W_self1": W_self1,
        "W_neigh1": W_neigh1,
    }


def _sage_gcn(src, neigh, W_self, W_neigh, act):
    # NeighborAggregator: mean over sampled neighbors, then linear
    neighbor_hidden = jnp.matmul(jnp.mean(neigh, axis=1), W_neigh)
    self_hidden = jnp.matmul(src, W_self)
    h = self_hidden + neighbor_hidden  # aggr_hidden_method="sum"
    return jax.nn.relu(h) if act else h


def reference(x0, x1, x2, W_self0, W_neigh0, W_self1, W_neigh1):
    num_layers = 2
    layer_params = [(W_self0, W_neigh0, True), (W_self1, W_neigh1, False)]
    hidden = [x0, x1, x2]
    for l in range(num_layers):
        W_self, W_neigh, act = layer_params[l]
        next_hidden = []
        for hop in range(num_layers - l):
            src = hidden[hop]
            n_src = src.shape[0]
            neigh = hidden[hop + 1].reshape(n_src, NUM_NEIGHBORS[hop], -1)
            next_hidden.append(_sage_gcn(src, neigh, W_self, W_neigh, act))
        hidden = next_hidden
    return hidden[0]

if __name__ == "__main__":
    import jax
    _d = setup_inputs()
    print(jax.jit(kernel)(*tuple(_d.values())))

</pallas_src>

<mosaic_0001>
#map = affine_map<(d0, d1) -> (0, 0)>
module attributes {stable_mosaic.version = 14 : i64} {
  func.func @_m2_sc_body(%arg0: i32, %arg1: i32, %arg2: memref<500000x128xf32, #tpu.memory_space<hbm>>, %arg3: memref<50000x128xf32, #tpu.memory_space<hbm>>, %arg4: memref<400x128xf32, #tpu.memory_space<vmem>>, %arg5: memref<40x128xf32, #tpu.memory_space<vmem>>) attributes {dimension_semantics = [#tpu.dimension_semantics<core_parallel>, #tpu.dimension_semantics<subcore_parallel>], iteration_bounds = array<i64: 2, 16>, scalar_prefetch = 0 : i64, scratch_operands = 2 : i64, tpu.core_type = #tpu.core_type<sc_vector_subcore>, window_params = [{transform_indices = #map}, {transform_indices = #map}]} {
    %mul3A = arith.constant 2 : i32
    %mul3A_0 = arith.muli %arg1, %mul3A : i32
    %add3A = arith.addi %mul3A_0, %arg0 : i32
    %scan3A = arith.constant 0 : i32
    %scan3A_1 = arith.constant 0 : i32
    %scan3A_2 = arith.constant 40 : i32
    %scan3A_3 = arith.addi %scan3A_1, %scan3A_2 : i32
    %scan3A_4 = arith.constant 1 : i32
    %scan3A_5 = scf.for %scan3A_7 = %scan3A_1 to %scan3A_3 step %scan3A_4 iter_args(%scan3A_8 = %scan3A) -> (i32)  : i32 {
      %mul3A_9 = arith.constant 32 : i32
      %mul3A_10 = arith.muli %mul3A_9, %scan3A_7 : i32
      %add3A_11 = arith.addi %add3A, %mul3A_10 : i32
      %lt3A = arith.constant 1250 : i32
      %lt3A_12 = arith.cmpi slt, %add3A_11, %lt3A : i32
      %convert_element_type3A = arith.extui %lt3A_12 : i1 to i32
      %cond3A = arith.constant 0 : i32
      %cond3A_13 = arith.cmpi ne, %convert_element_type3A, %cond3A : i32
      scf.if %cond3A_13 {
        %mul3A_15 = arith.constant 40 : i32
        %mul3A_16 = arith.muli %add3A_11, %mul3A_15 : i32
        %mul3A_17 = arith.constant 10 : i32
        %mul3A_18 = arith.muli %mul3A_16, %mul3A_17 : i32
        "tpu.region"() ({
          %run_scoped3A = tpu.sem_alloc : memref<!tpu.dma_semaphore, #tpu.memory_space<semaphore_mem>>
          %dma_start3A = arith.constant 0 : i32
          %dma_start3A_26 = tpu.memref_slice %arg2[%mul3A_18, %dma_start3A] : memref<500000x128xf32, #tpu.memory_space<hbm>> -> memref<400x128xf32, #tpu.memory_space<hbm>>
          %dma_start3A_27 = arith.constant 0 : i32
          %dma_start3A_28 = tpu.memref_slice %arg2[%mul3A_18, %dma_start3A_27] : memref<500000x128xf32, #tpu.memory_space<hbm>> -> memref<400x128xf32, #tpu.memory_space<hbm>>
          tpu.enqueue_dma source(%dma_start3A_28 : memref<400x128xf32, #tpu.memory_space<hbm>>) target(%arg4 : memref<400x128xf32, #tpu.memory_space<vmem>>) target_semaphore(%run_scoped3A : memref<!tpu.dma_semaphore, #tpu.memory_space<semaphore_mem>>)
          %dma_wait3A = arith.constant 0 : i32
          %dma_wait3A_29 = tpu.memref_slice %arg2[%mul3A_18, %dma_wait3A] : memref<500000x128xf32, #tpu.memory_space<hbm>> -> memref<400x128xf32, #tpu.memory_space<hbm>>
          %dma_wait3A_30 = arith.constant 0 : i32
          %dma_wait3A_31 = tpu.memref_slice %arg2[%mul3A_18, %dma_wait3A_30] : memref<500000x128xf32, #tpu.memory_space<hbm>> -> memref<400x128xf32, #tpu.memory_space<hbm>>
          tpu.wait_dma2 semaphore(%run_scoped3A : memref<!tpu.dma_semaphore, #tpu.memory_space<semaphore_mem>>) src(%dma_wait3A_31 : memref<400x128xf32, #tpu.memory_space<hbm>>) dst(%arg4 : memref<400x128xf32, #tpu.memory_space<vmem>>)
          tpu.yield
        }) : () -> ()
        %scan3A_19 = arith.constant 0 : i32
        %scan3A_20 = arith.constant 0 : i32
        %scan3A_21 = arith.constant 40 : i32
        %scan3A_22 = arith.addi %scan3A_20, %scan3A_21 : i32
        %scan3A_23 = arith.constant 1 : i32
        %scan3A_24 = scf.for %scan3A_26 = %scan3A_20 to %scan3A_22 step %scan3A_23 iter_args(%scan3A_27 = %scan3A_19) -> (i32)  : i32 {
          %mul3A_28 = arith.constant 10 : i32
          %mul3A_29 = arith.muli %scan3A_26, %mul3A_28 : i32
          %get3A = arith.index_cast %mul3A_29 : i32 to index
          %get3A_30 = arith.constant 0 : index
          %get3A_31 = tpu.vector_load %arg4[%get3A, %get3A_30] {strides = array<i32>} : memref<400x128xf32, #tpu.memory_space<vmem>>, vector<1x16xf32>,
          %get3A_32 = vector.shape_cast %get3A_31 : vector<1x16xf32> to vector<16xf32>
          %mul3A_33 = arith.constant 10 : i32
          %mul3A_34 = arith.muli %scan3A_26, %mul3A_33 : i32
          %add3A_35 = arith.constant 1 : i32
          %add3A_36 = arith.addi %mul3A_34, %add3A_35 : i32
          %get3A_37 = arith.index_cast %add3A_36 : i32 to index
          %get3A_38 = arith.constant 0 : index
          %get3A_39 = tpu.vector_load %arg4[%get3A_37, %get3A_38] {strides = array<i32>} : memref<400x128xf32, #tpu.memory_space<vmem>>, vector<1x16xf32>,
          %get3A_40 = vector.shape_cast %get3A_39 : vector<1x16xf32> to vector<16xf32>
          %add3A_41 = arith.addf %get3A_32, %get3A_40 : vector<16xf32>
          %mul3A_42 = arith.constant 10 : i32
          %mul3A_43 = arith.muli %scan3A_26, %mul3A_42 : i32
          %add3A_44 = arith.constant 2 : i32
          %add3A_45 = arith.addi %mul3A_43, %add3A_44 : i32
          %get3A_46 = arith.index_cast %add3A_45 : i32 to index
          %get3A_47 = arith.constant 0 : index
          %get3A_48 = tpu.vector_load %arg4[%get3A_46, %get3A_47] {strides = array<i32>} : memref<400x128xf32, #tpu.memory_space<vmem>>, vector<1x16xf32>,
          %get3A_49 = vector.shape_cast %get3A_48 : vector<1x16xf32> to vector<16xf32>
          %add3A_50 = arith.addf %add3A_41, %get3A_49 : vector<16xf32>
          %mul3A_51 = arith.constant 10 : i32
          %mul3A_52 = arith.muli %scan3A_26, %mul3A_51 : i32
          %add3A_53 = arith.constant 3 : i32
          %add3A_54 = arith.addi %mul3A_52, %add3A_53 : i32
          %get3A_55 = arith.index_cast %add3A_54 : i32 to index
          %get3A_56 = arith.constant 0 : index
          %get3A_57 = tpu.vector_load %arg4[%get3A_55, %get3A_56] {strides = array<i32>} : memref<400x128xf32, #tpu.memory_space<vmem>>, vector<1x16xf32>,
          %get3A_58 = vector.shape_cast %get3A_57 : vector<1x16xf32> to vector<16xf32>
          %add3A_59 = arith.addf %add3A_50, %get3A_58 : vector<16xf32>
          %mul3A_60 = arith.constant 10 : i32
          %mul3A_61 = arith.muli %scan3A_26, %mul3A_60 : i32
          %add3A_62 = arith.constant 4 : i32
          %add3A_63 = arith.addi %mul3A_61, %add3A_62 : i32
          %get3A_64 = arith.index_cast %add3A_63 : i32 to index
          %get3A_65 = arith.constant 0 : index
          %get3A_66 = tpu.vector_load %arg4[%get3A_64, %get3A_65] {strides = array<i32>} : memref<400x128xf32, #tpu.memory_space<vmem>>, vector<1x16xf32>,
          %get3A_67 = vector.shape_cast %get3A_66 : vector<1x16xf32> to vector<16xf32>
          %add3A_68 = arith.addf %add3A_59, %get3A_67 : vector<16xf32>
          %mul3A_69 = arith.constant 10 : i32
          %mul3A_70 = arith.muli %scan3A_26, %mul3A_69 : i32
          %add3A_71 = arith.constant 5 : i32
          %add3A_72 = arith.addi %mul3A_70, %add3A_71 : i32
          %get3A_73 = arith.index_cast %add3A_72 : i32 to index
          %get3A_74 = arith.constant 0 : index
          %get3A_75 = tpu.vector_load %arg4[%get3A_73, %get3A_74] {strides = array<i32>} : memref<400x128xf32, #tpu.memory_space<vmem>>, vector<1x16xf32>,
          %get3A_76 = vector.shape_cast %get3A_75 : vector<1x16xf32> to vector<16xf32>
          %add3A_77 = arith.addf %add3A_68, %get3A_76 : vector<16xf32>
          %mul3A_78 = arith.constant 10 : i32
          %mul3A_79 = arith.muli %scan3A_26, %mul3A_78 : i32
          %add3A_80 = arith.constant 6 : i32
          %add3A_81 = arith.addi %mul3A_79, %add3A_80 : i32
          %get3A_82 = arith.index_cast %add3A_81 : i32 to index
          %get3A_83 = arith.constant 0 : index
          %get3A_84 = tpu.vector_load %arg4[%get3A_82, %get3A_83] {strides = array<i32>} : memref<400x128xf32, #tpu.memory_space<vmem>>, vector<1x16xf32>,
          %get3A_85 = vector.shape_cast %get3A_84 : vector<1x16xf32> to vector<16xf32>
          %add3A_86 = arith.addf %add3A_77, %get3A_85 : vector<16xf32>
          %mul3A_87 = arith.constant 10 : i32
          %mul3A_88 = arith.muli %scan3A_26, %mul3A_87 : i32
          %add3A_89 = arith.constant 7 : i32
          %add3A_90 = arith.addi %mul3A_88, %add3A_89 : i32
          %get3A_91 = arith.index_cast %add3A_90 : i32 to index
          %get3A_92 = arith.constant 0 : index
          %get3A_93 = tpu.vector_load %arg4[%get3A_91, %get3A_92] {strides = array<i32>} : memref<400x128xf32, #tpu.memory_space<vmem>>, vector<1x16xf32>,
          %get3A_94 = vector.shape_cast %get3A_93 : vector<1x16xf32> to vector<16xf32>
          %add3A_95 = arith.addf %add3A_86, %get3A_94 : vector<16xf32>
          %mul3A_96 = arith.constant 10 : i32
          %mul3A_97 = arith.muli %scan3A_26, %mul3A_96 : i32
          %add3A_98 = arith.constant 8 : i32
          %add3A_99 = arith.addi %mul3A_97, %add3A_98 : i32
          %get3A_100 = arith.index_cast %add3A_99 : i32 to index
          %get3A_101 = arith.constant 0 : index
          %get3A_102 = tpu.vector_load %arg4[%get3A_100, %get3A_101] {strides = array<i32>} : memref<400x128xf32, #tpu.memory_space<vmem>>, vector<1x16xf32>,
          %get3A_103 = vector.shape_cast %get3A_102 : vector<1x16xf32> to vector<16xf32>
          %add3A_104 = arith.addf %add3A_95, %get3A_103 : vector<16xf32>
          %mul3A_105 = arith.constant 10 : i32
          %mul3A_106 = arith.muli %scan3A_26, %mul3A_105 : i32
          %add3A_107 = arith.constant 9 : i32
          %add3A_108 = arith.addi %mul3A_106, %add3A_107 : i32
          %get3A_109 = arith.index_cast %add3A_108 : i32 to index
          %get3A_110 = arith.constant 0 : index
          %get3A_111 = tpu.vector_load %arg4[%get3A_109, %get3A_110] {strides = array<i32>} : memref<400x128xf32, #tpu.memory_space<vmem>>, vector<1x16xf32>,
          %get3A_112 = vector.shape_cast %get3A_111 : vector<1x16xf32> to vector<16xf32>
          %add3A_113 = arith.addf %add3A_104, %get3A_112 : vector<16xf32>
          %mul3A_114 = arith.constant 1.000000e-01 : f32
          %mul3A_115 = vector.broadcast %mul3A_114 : f32 to vector<16xf32>
          %mul3A_116 = arith.mulf %add3A_113, %mul3A_115 : vector<16xf32>
          %swap3A = arith.index_cast %scan3A_26 : i32 to index
          %swap3A_117 = arith.constant 0 : index
          %swap3A_118 = tpu.vector_load %arg5[%swap3A, %swap3A_117] {strides = array<i32>} : memref<40x128xf32, #tpu.memory_space<vmem>>, vector<1x16xf32>,
          %swap3A_119 = vector.shape_cast %swap3A_118 : vector<1x16xf32> to vector<16xf32>
          %swap3A_120 = vector.shape_cast %mul3A_116 : vector<16xf32> to vector<1x16xf32>
          tpu.vector_store %arg5[%swap3A, %swap3A_117], %swap3A_120 {strides = array<i32>} : memref<40x128xf32, #tpu.memory_space<vmem>>, vector<1x16xf32>,
          %mul3A_121 = arith.constant 10 : i32
          %mul3A_122 = arith.muli %scan3A_26, %mul3A_121 : i32
          %get3A_123 = arith.index_cast %mul3A_122 : i32 to index
          %get3A_124 = arith.constant 16 : index
          %get3A_125 = tpu.vector_load %arg4[%get3A_123, %get3A_124] {strides = array<i32>} : memref<400x128xf32, #tpu.memory_space<vmem>>, vector<1x16xf32>,
          %get3A_126 = vector.shape_cast %get3A_125 : vector<1x16xf32> to vector<16xf32>
          %mul3A_127 = arith.constant 10 : i32
          %mul3A_128 = arith.muli %scan3A_26, %mul3A_127 : i32
          %add3A_129 = arith.constant 1 : i32
          %add3A_130 = arith.addi %mul3A_128, %add3A_129 : i32
          %get3A_131 = arith.index_cast %add3A_130 : i32 to index
          %get3A_132 = arith.constant 16 : index
          %get3A_133 = tpu.vector_load %arg4[%get3A_131, %get3A_132] {strides = array<i32>} : memref<400x128xf32, #tpu.memory_space<vmem>>, vector<1x16xf32>,
          %get3A_134 = vector.shape_cast %get3A_133 : vector<1x16xf32> to vector<16xf32>
          %add3A_135 = arith.addf %get3A_126, %get3A_134 : vector<16xf32>
          %mul3A_136 = arith.constant 10 : i32
          %mul3A_137 = arith.muli %scan3A_26, %mul3A_136 : i32
          %add3A_138 = arith.constant 2 : i32
          %add3A_139 = arith.addi %mul3A_137, %add3A_138 : i32
          %get3A_140 = arith.index_cast %add3A_139 : i32 to index
          %get3A_141 = arith.constant 16 : index
          %get3A_142 = tpu.vector_load %arg4[%get3A_140, %get3A_141] {strides = array<i32>} : memref<400x128xf32, #tpu.memory_space<vmem>>, vector<1x16xf32>,
          %get3A_143 = vector.shape_cast %get3A_142 : vector<1x16xf32> to vector<16xf32>
          %add3A_144 = arith.addf %add3A_135, %get3A_143 : vector<16xf32>
          %mul3A_145 = arith.constant 10 : i32
          %mul3A_146 = arith.muli %scan3A_26, %mul3A_145 : i32
          %add3A_147 = arith.constant 3 : i32
          %add3A_148 = arith.addi %mul3A_146, %add3A_147 : i32
          %get3A_149 = arith.index_cast %add3A_148 : i32 to index
          %get3A_150 = arith.constant 16 : index
          %get3A_151 = tpu.vector_load %arg4[%get3A_149, %get3A_150] {strides = array<i32>} : memref<400x128xf32, #tpu.memory_space<vmem>>, vector<1x16xf32>,
          %get3A_152 = vector.shape_cast %get3A_151 : vector<1x16xf32> to vector<16xf32>
          %add3A_153 = arith.addf %add3A_144, %get3A_152 : vector<16xf32>
          %mul3A_154 = arith.constant 10 : i32
          %mul3A_155 = arith.muli %scan3A_26, %mul3A_154 : i32
          %add3A_156 = arith.constant 4 : i32
          %add3A_157 = arith.addi %mul3A_155, %add3A_156 : i32
          %get3A_158 = arith.index_cast %add3A_157 : i32 to index
          %get3A_159 = arith.constant 16 : index
          %get3A_160 = tpu.vector_load %arg4[%get3A_158, %get3A_159] {strides = array<i32>} : memref<400x128xf32, #tpu.memory_space<vmem>>, vector<1x16xf32>,
          %get3A_161 = vector.shape_cast %get3A_160 : vector<1x16xf32> to vector<16xf32>
          %add3A_162 = arith.addf %add3A_153, %get3A_161 : vector<16xf32>
          %mul3A_163 = arith.constant 10 : i32
          %mul3A_164 = arith.muli %scan3A_26, %mul3A_163 : i32
          %add3A_165 = arith.constant 5 : i32
          %add3A_166 = arith.addi %mul3A_164, %add3A_165 : i32
          %get3A_167 = arith.index_cast %add3A_166 : i32 to index
          %get3A_168 = arith.constant 16 : index
          %get3A_169 = tpu.vector_load %arg4[%get3A_167, %get3A_168] {strides = array<i32>} : memref<400x128xf32, #tpu.memory_space<vmem>>, vector<1x16xf32>,
          %get3A_170 = vector.shape_cast %get3A_169 : vector<1x16xf32> to vector<16xf32>
          %add3A_171 = arith.addf %add3A_162, %get3A_170 : vector<16xf32>
          %mul3A_172 = arith.constant 10 : i32
          %mul3A_173 = arith.muli %scan3A_26, %mul3A_172 : i32
          %add3A_174 = arith.constant 6 : i32
          %add3A_175 = arith.addi %mul3A_173, %add3A_174 : i32
          %get3A_176 = arith.index_cast %add3A_175 : i32 to index
          %get3A_177 = arith.constant 16 : index
          %get3A_178 = tpu.vector_load %arg4[%get3A_176, %get3A_177] {strides = array<i32>} : memref<400x128xf32, #tpu.memory_space<vmem>>, vector<1x16xf32>,
          %get3A_179 = vector.shape_cast %get3A_178 : vector<1x16xf32> to vector<16xf32>
          %add3A_180 = arith.addf %add3A_171, %get3A_179 : vector<16xf32>
          %mul3A_181 = arith.constant 10 : i32
          %mul3A_182 = arith.muli %scan3A_26, %mul3A_181 : i32
          %add3A_183 = arith.constant 7 : i32
          %add3A_184 = arith.addi %mul3A_182, %add3A_183 : i32
          %get3A_185 = arith.index_cast %add3A_184 : i32 to index
          %get3A_186 = arith.constant 16 : index
          %get3A_187 = tpu.vector_load %arg4[%get3A_185, %get3A_186] {strides = array<i32>} : memref<400x128xf32, #tpu.memory_space<vmem>>, vector<1x16xf32>,
          %get3A_188 = vector.shape_cast %get3A_187 : vector<1x16xf32> to vector<16xf32>
          %add3A_189 = arith.addf %add3A_180, %get3A_188 : vector<16xf32>
          %mul3A_190 = arith.constant 10 : i32
          %mul3A_191 = arith.muli %scan3A_26, %mul3A_190 : i32
          %add3A_192 = arith.constant 8 : i32
          %add3A_193 = arith.addi %mul3A_191, %add3A_192 : i32
          %get3A_194 = arith.index_cast %add3A_193 : i32 to index
          %get3A_195 = arith.constant 16 : index
          %get3A_196 = tpu.vector_load %arg4[%get3A_194, %get3A_195] {strides = array<i32>} : memref<400x128xf32, #tpu.memory_space<vmem>>, vector<1x16xf32>,
          %get3A_197 = vector.shape_cast %get3A_196 : vector<1x16xf32> to vector<16xf32>
          %add3A_198 = arith.addf %add3A_189, %get3A_197 : vector<16xf32>
          %mul3A_199 = arith.constant 10 : i32
          %mul3A_200 = arith.muli %scan3A_26, %mul3A_199 : i32
          %add3A_201 = arith.constant 9 : i32
          %add3A_202 = arith.addi %mul3A_200, %add3A_201 : i32
          %get3A_203 = arith.index_cast %add3A_202 : i32 to index
          %get3A_204 = arith.constant 16 : index
          %get3A_205 = tpu.vector_load %arg4[%get3A_203, %get3A_204] {strides = array<i32>} : memref<400x128xf32, #tpu.memory_space<vmem>>, vector<1x16xf32>,
          %get3A_206 = vector.shape_cast %get3A_205 : vector<1x16xf32> to vector<16xf32>
          %add3A_207 = arith.addf %add3A_198, %get3A_206 : vector<16xf32>
          %mul3A_208 = arith.constant 1.000000e-01 : f32
          %mul3A_209 = vector.broadcast %mul3A_208 : f32 to vector<16xf32>
          %mul3A_210 = arith.mulf %add3A_207, %mul3A_209 : vector<16xf32>
          %swap3A_211 = arith.index_cast %scan3A_26 : i32 to index
          %swap3A_212 = arith.constant 16 : index
          %swap3A_213 = tpu.vector_load %arg5[%swap3A_211, %swap3A_212] {strides = array<i32>} : memref<40x128xf32, #tpu.memory_space<vmem>>, vector<1x16xf32>,
          %swap3A_214 = vector.shape_cast %swap3A_213 : vector<1x16xf32> to vector<16xf32>
          %swap3A_215 = vector.shape_cast %mul3A_210 : vector<16xf32> to vector<1x16xf32>
          tpu.vector_store %arg5[%swap3A_211, %swap3A_212], %swap3A_215 {strides = array<i32>} : memref<40x128xf32, #tpu.memory_space<vmem>>, vector<1x16xf32>,
          %mul3A_216 = arith.constant 10 : i32
          %mul3A_217 = arith.muli %scan3A_26, %mul3A_216 : i32
          %get3A_218 = arith.index_cast %mul3A_217 : i32 to index
          %get3A_219 = arith.constant 32 : index
          %get3A_220 = tpu.vector_load %arg4[%get3A_218, %get3A_219] {strides = array<i32>} : memref<400x128xf32, #tpu.memory_space<vmem>>, vector<1x16xf32>,
          %get3A_221 = vector.shape_cast %get3A_220 : vector<1x16xf32> to vector<16xf32>
          %mul3A_222 = arith.constant 10 : i32
          %mul3A_223 = arith.muli %scan3A_26, %mul3A_222 : i32
          %add3A_224 = arith.constant 1 : i32
          %add3A_225 = arith.addi %mul3A_223, %add3A_224 : i32
          %get3A_226 = arith.index_cast %add3A_225 : i32 to index
          %get3A_227 = arith.constant 32 : index
          %get3A_228 = tpu.vector_load %arg4[%get3A_226, %get3A_227] {strides = array<i32>} : memref<400x128xf32, #tpu.memory_space<vmem>>, vector<1x16xf32>,
          %get3A_229 = vector.shape_cast %get3A_228 : vector<1x16xf32> to vector<16xf32>
          %add3A_230 = arith.addf %get3A_221, %get3A_229 : vector<16xf32>
          %mul3A_231 = arith.constant 10 : i32
          %mul3A_232 = arith.muli %scan3A_26, %mul3A_231 : i32
          %add3A_233 = arith.constant 2 : i32
          %add3A_234 = arith.addi %mul3A_232, %add3A_233 : i32
          %get3A_235 = arith.index_cast %add3A_234 : i32 to index
          %get3A_236 = arith.constant 32 : index
          %get3A_237 = tpu.vector_load %arg4[%get3A_235, %get3A_236] {strides = array<i32>} : memref<400x128xf32, #tpu.memory_space<vmem>>, vector<1x16xf32>,
          %get3A_238 = vector.shape_cast %get3A_237 : vector<1x16xf32> to vector<16xf32>
          %add3A_239 = arith.addf %add3A_230, %get3A_238 : vector<16xf32>
          %mul3A_240 = arith.constant 10 : i32
          %mul3A_241 = arith.muli %scan3A_26, %mul3A_240 : i32
          %add3A_242 = arith.constant 3 : i32
          %add3A_243 = arith.addi %mul3A_241, %add3A_242 : i32
          %get3A_244 = arith.index_cast %add3A_243 : i32 to index
          %get3A_245 = arith.constant 32 : index
          %get3A_246 = tpu.vector_load %arg4[%get3A_244, %get3A_245] {strides = array<i32>} : memref<400x128xf32, #tpu.memory_space<vmem>>, vector<1x16xf32>,
          %get3A_247 = vector.shape_cast %get3A_246 : vector<1x16xf32> to vector<16xf32>
          %add3A_248 = arith.addf %add3A_239, %get3A_247 : vector<16xf32>
          %mul3A_249 = arith.constant 10 : i32
          %mul3A_250 = arith.muli %scan3A_26, %mul3A_249 : i32
          %add3A_251 = arith.constant 4 : i32
          %add3A_252 = arith.addi %mul3A_250, %add3A_251 : i32
          %get3A_253 = arith.index_cast %add3A_252 : i32 to index
          %get3A_254 = arith.constant 32 : index
          %get3A_255 = tpu.vector_load %arg4[%get3A_253, %get3A_254] {strides = array<i32>} : memref<400x128xf32, #tpu.memory_space<vmem>>, vector<1x16xf32>,
          %get3A_256 = vector.shape_cast %get3A_255 : vector<1x16xf32> to vector<16xf32>
          %add3A_257 = arith.addf %add3A_248, %get3A_256 : vector<16xf32>
          %mul3A_258 = arith.constant 10 : i32
          %mul3A_259 = arith.muli %scan3A_26, %mul3A_258 : i32
          %add3A_260 = arith.constant 5 : i32
          %add3A_261 = arith.addi %mul3A_259, %add3A_260 : i32
          %get3A_262 = arith.index_cast %add3A_261 : i32 to index
          %get3A_263 = arith.constant 32 : index
          %get3A_264 = tpu.vector_load %arg4[%get3A_262, %get3A_263] {strides = array<i32>} : memref<400x128xf32, #tpu.memory_space<vmem>>, vector<1x16xf32>,
          %get3A_265 = vector.shape_cast %get3A_264 : vector<1x16xf32> to vector<16xf32>
          %add3A_266 = arith.addf %add3A_257, %get3A_265 : vector<16xf32>
          %mul3A_267 = arith.constant 10 : i32
          %mul3A_268 = arith.muli %scan3A_26, %mul3A_267 : i32
          %add3A_269 = arith.constant 6 : i32
          %add3A_270 = arith.addi %mul3A_268, %add3A_269 : i32
          %get3A_271 = arith.index_cast %add3A_270 : i32 to index
          %get3A_272 = arith.constant 32 : index
          %get3A_273 = tpu.vector_load %arg4[%get3A_271, %get3A_272] {strides = array<i32>} : memref<400x128xf32, #tpu.memory_space<vmem>>, vector<1x16xf32>,
          %get3A_274 = vector.shape_cast %get3A_273 : vector<1x16xf32> to vector<16xf32>
          %add3A_275 = arith.addf %add3A_266, %get3A_274 : vector<16xf32>
          %mul3A_276 = arith.constant 10 : i32
          %mul3A_277 = arith.muli %scan3A_26, %mul3A_276 : i32
          %add3A_278 = arith.constant 7 : i32
          %add3A_279 = arith.addi %mul3A_277, %add3A_278 : i32
          %get3A_280 = arith.index_cast %add3A_279 : i32 to index
          %get3A_281 = arith.constant 32 : index
          %get3A_282 = tpu.vector_load %arg4[%get3A_280, %get3A_281] {strides = array<i32>} : memref<400x128xf32, #tpu.memory_space<vmem>>, vector<1x16xf32>,
          %get3A_283 = vector.shape_cast %get3A_282 : vector<1x16xf32> to vector<16xf32>
          %add3A_284 = arith.addf %add3A_275, %get3A_283 : vector<16xf32>
          %mul3A_285 = arith.constant 10 : i32
          %mul3A_286 = arith.muli %scan3A_26, %mul3A_285 : i32
          %add3A_287 = arith.constant 8 : i32
          %add3A_288 = arith.addi %mul3A_286, %add3A_287 : i32
          %get3A_289 = arith.index_cast %add3A_288 : i32 to index
          %get3A_290 = arith.constant 32 : index
          %get3A_291 = tpu.vector_load %arg4[%get3A_289, %get3A_290] {strides = array<i32>} : memref<400x128xf32, #tpu.memory_space<vmem>>, vector<1x16xf32>,
          %get3A_292 = vector.shape_cast %get3A_291 : vector<1x16xf32> to vector<16xf32>
          %add3A_293 = arith.addf %add3A_284, %get3A_292 : vector<16xf32>
          %mul3A_294 = arith.constant 10 : i32
          %mul3A_295 = arith.muli %scan3A_26, %mul3A_294 : i32
          %add3A_296 = arith.constant 9 : i32
          %add3A_297 = arith.addi %mul3A_295, %add3A_296 : i32
          %get3A_298 = arith.index_cast %add3A_297 : i32 to index
          %get3A_299 = arith.constant 32 : index
          %get3A_300 = tpu.vector_load %arg4[%get3A_298, %get3A_299] {strides = array<i32>} : memref<400x128xf32, #tpu.memory_space<vmem>>, vector<1x16xf32>,
          %get3A_301 = vector.shape_cast %get3A_300 : vector<1x16xf32> to vector<16xf32>
          %add3A_302 = arith.addf %add3A_293, %get3A_301 : vector<16xf32>
          %mul3A_303 = arith.constant 1.000000e-01 : f32
          %mul3A_304 = vector.broadcast %mul3A_303 : f32 to vector<16xf32>
          %mul3A_305 = arith.mulf %add3A_302, %mul3A_304 : vector<16xf32>
          %swap3A_306 = arith.index_cast %scan3A_26 : i32 to index
          %swap3A_307 = arith.constant 32 : index
          %swap3A_308 = tpu.vector_load %arg5[%swap3A_306, %swap3A_307] {strides = array<i32>} : memref<40x128xf32, #tpu.memory_space<vmem>>, vector<1x16xf32>,
          %swap3A_309 = vector.shape_cast %swap3A_308 : vector<1x16xf32> to vector<16xf32>
          %swap3A_310 = vector.shape_cast %mul3A_305 : vector<16xf32> to vector<1x16xf32>
          tpu.vector_store %arg5[%swap3A_306, %swap3A_307], %swap3A_310 {strides = array<i32>} : memref<40x128xf32, #tpu.memory_space<vmem>>, vector<1x16xf32>,
          %mul3A_311 = arith.constant 10 : i32
          %mul3A_312 = arith.muli %scan3A_26, %mul3A_311 : i32
          %get3A_313 = arith.index_cast %mul3A_312 : i32 to index
          %get3A_314 = arith.constant 48 : index
          %get3A_315 = tpu.vector_load %arg4[%get3A_313, %get3A_314] {strides = array<i32>} : memref<400x128xf32, #tpu.memory_space<vmem>>, vector<1x16xf32>,
          %get3A_316 = vector.shape_cast %get3A_315 : vector<1x16xf32> to vector<16xf32>
          %mul3A_317 = arith.constant 10 : i32
          %mul3A_318 = arith.muli %scan3A_26, %mul3A_317 : i32
          %add3A_319 = arith.constant 1 : i32
          %add3A_320 = arith.addi %mul3A_318, %add3A_319 : i32
          %get3A_321 = arith.index_cast %add3A_320 : i32 to index
          %get3A_322 = arith.constant 48 : index
          %get3A_323 = tpu.vector_load %arg4[%get3A_321, %get3A_322] {strides = array<i32>} : memref<400x128xf32, #tpu.memory_space<vmem>>, vector<1x16xf32>,
          %get3A_324 = vector.shape_cast %get3A_323 : vector<1x16xf32> to vector<16xf32>
          %add3A_325 = arith.addf %get3A_316, %get3A_324 : vector<16xf32>
          %mul3A_326 = arith.constant 10 : i32
          %mul3A_327 = arith.muli %scan3A_26, %mul3A_326 : i32
          %add3A_328 = arith.constant 2 : i32
          %add3A_329 = arith.addi %mul3A_327, %add3A_328 : i32
          %get3A_330 = arith.index_cast %add3A_329 : i32 to index
          %get3A_331 = arith.constant 48 : index
          %get3A_332 = tpu.vector_load %arg4[%get3A_330, %get3A_331] {strides = array<i32>} : memref<400x128xf32, #tpu.memory_space<vmem>>, vector<1x16xf32>,
          %get3A_333 = vector.shape_cast %get3A_332 : vector<1x16xf32> to vector<16xf32>
          %add3A_334 = arith.addf %add3A_325, %get3A_333 : vector<16xf32>
          %mul3A_335 = arith.constant 10 : i32
          %mul3A_336 = arith.muli %scan3A_26, %mul3A_335 : i32
          %add3A_337 = arith.constant 3 : i32
          %add3A_338 = arith.addi %mul3A_336, %add3A_337 : i32
          %get3A_339 = arith.index_cast %add3A_338 : i32 to index
          %get3A_340 = arith.constant 48 : index
          %get3A_341 = tpu.vector_load %arg4[%get3A_339, %get3A_340] {strides = array<i32>} : memref<400x128xf32, #tpu.memory_space<vmem>>, vector<1x16xf32>,
          %get3A_342 = vector.shape_cast %get3A_341 : vector<1x16xf32> to vector<16xf32>
          %add3A_343 = arith.addf %add3A_334, %get3A_342 : vector<16xf32>
          %mul3A_344 = arith.constant 10 : i32
          %mul3A_345 = arith.muli %scan3A_26, %mul3A_344 : i32
          %add3A_346 = arith.constant 4 : i32
          %add3A_347 = arith.addi %mul3A_345, %add3A_346 : i32
          %get3A_348 = arith.index_cast %add3A_347 : i32 to index
          %get3A_349 = arith.constant 48 : index
          %get3A_350 = tpu.vector_load %arg4[%get3A_348, %get3A_349] {strides = array<i32>} : memref<400x128xf32, #tpu.memory_space<vmem>>, vector<1x16xf32>,
          %get3A_351 = vector.shape_cast %get3A_350 : vector<1x16xf32> to vector<16xf32>
          %add3A_352 = arith.addf %add3A_343, %get3A_351 : vector<16xf32>
          %mul3A_353 = arith.constant 10 : i32
          %mul3A_354 = arith.muli %scan3A_26, %mul3A_353 : i32
          %add3A_355 = arith.constant 5 : i32
          %add3A_356 = arith.addi %mul3A_354, %add3A_355 : i32
          %get3A_357 = arith.index_cast %add3A_356 : i32 to index
          %get3A_358 = arith.constant 48 : index
          %get3A_359 = tpu.vector_load %arg4[%get3A_357, %get3A_358] {strides = array<i32>} : memref<400x128xf32, #tpu.memory_space<vmem>>, vector<1x16xf32>,
          %get3A_360 = vector.shape_cast %get3A_359 : vector<1x16xf32> to vector<16xf32>
          %add3A_361 = arith.addf %add3A_352, %get3A_360 : vector<16xf32>
          %mul3A_362 = arith.constant 10 : i32
          %mul3A_363 = arith.muli %scan3A_26, %mul3A_362 : i32
          %add3A_364 = arith.constant 6 : i32
          %add3A_365 = arith.addi %mul3A_363, %add3A_364 : i32
          %get3A_366 = arith.index_cast %add3A_365 : i32 to index
          %get3A_367 = arith.constant 48 : index
          %get3A_368 = tpu.vector_load %arg4[%get3A_366, %get3A_367] {strides = array<i32>} : memref<400x128xf32, #tpu.memory_space<vmem>>, vector<1x16xf32>,
          %get3A_369 = vector.shape_cast %get3A_368 : vector<1x16xf32> to vector<16xf32>
          %add3A_370 = arith.addf %add3A_361, %get3A_369 : vector<16xf32>
          %mul3A_371 = arith.constant 10 : i32
          %mul3A_372 = arith.muli %scan3A_26, %mul3A_371 : i32
          %add3A_373 = arith.constant 7 : i32
          %add3A_374 = arith.addi %mul3A_372, %add3A_373 : i32
          %get3A_375 = arith.index_cast %add3A_374 : i32 to index
          %get3A_376 = arith.constant 48 : index
          %get3A_377 = tpu.vector_load %arg4[%get3A_375, %get3A_376] {strides = array<i32>} : memref<400x128xf32, #tpu.memory_space<vmem>>, vector<1x16xf32>,
          %get3A_378 = vector.shape_cast %get3A_377 : vector<1x16xf32> to vector<16xf32>
          %add3A_379 = arith.addf %add3A_370, %get3A_378 : vector<16xf32>
          %mul3A_380 = arith.constant 10 : i32
          %mul3A_381 = arith.muli %scan3A_26, %mul3A_380 : i32
          %add3A_382 = arith.constant 8 : i32
          %add3A_383 = arith.addi %mul3A_381, %add3A_382 : i32
          %get3A_384 = arith.index_cast %add3A_383 : i32 to index
          %get3A_385 = arith.constant 48 : index
          %get3A_386 = tpu.vector_load %arg4[%get3A_384, %get3A_385] {strides = array<i32>} : memref<400x128xf32, #tpu.memory_space<vmem>>, vector<1x16xf32>,
          %get3A_387 = vector.shape_cast %get3A_386 : vector<1x16xf32> to vector<16xf32>
          %add3A_388 = arith.addf %add3A_379, %get3A_387 : vector<16xf32>
          %mul3A_389 = arith.constant 10 : i32
          %mul3A_390 = arith.muli %scan3A_26, %mul3A_389 : i32
          %add3A_391 = arith.constant 9 : i32
          %add3A_392 = arith.addi %mul3A_390, %add3A_391 : i32
          %get3A_393 = arith.index_cast %add3A_392 : i32 to index
          %get3A_394 = arith.constant 48 : index
          %get3A_395 = tpu.vector_load %arg4[%get3A_393, %get3A_394] {strides = array<i32>} : memref<400x128xf32, #tpu.memory_space<vmem>>, vector<1x16xf32>,
          %get3A_396 = vector.shape_cast %get3A_395 : vector<1x16xf32> to vector<16xf32>
          %add3A_397 = arith.addf %add3A_388, %get3A_396 : vector<16xf32>
          %mul3A_398 = arith.constant 1.000000e-01 : f32
          %mul3A_399 = vector.broadcast %mul3A_398 : f32 to vector<16xf32>
          %mul3A_400 = arith.mulf %add3A_397, %mul3A_399 : vector<16xf32>
          %swap3A_401 = arith.index_cast %scan3A_26 : i32 to index
          %swap3A_402 = arith.constant 48 : index
          %swap3A_403 = tpu.vector_load %arg5[%swap3A_401, %swap3A_402] {strides = array<i32>} : memref<40x128xf32, #tpu.memory_space<vmem>>, vector<1x16xf32>,
          %swap3A_404 = vector.shape_cast %swap3A_403 : vector<1x16xf32> to vector<16xf32>
          %swap3A_405 = vector.shape_cast %mul3A_400 : vector<16xf32> to vector<1x16xf32>
          tpu.vector_store %arg5[%swap3A_401, %swap3A_402], %swap3A_405 {strides = array<i32>} : memref<40x128xf32, #tpu.memory_space<vmem>>, vector<1x16xf32>,
          %mul3A_406 = arith.constant 10 : i32
          %mul3A_407 = arith.muli %scan3A_26, %mul3A_406 : i32
          %get3A_408 = arith.index_cast %mul3A_407 : i32 to index
          %get3A_409 = arith.constant 64 : index
          %get3A_410 = tpu.vector_load %arg4[%get3A_408, %get3A_409] {strides = array<i32>} : memref<400x128xf32, #tpu.memory_space<vmem>>, vector<1x16xf32>,
          %get3A_411 = vector.shape_cast %get3A_410 : vector<1x16xf32> to vector<16xf32>
          %mul3A_412 = arith.constant 10 : i32
          %mul3A_413 = arith.muli %scan3A_26, %mul3A_412 : i32
          %add3A_414 = arith.constant 1 : i32
          %add3A_415 = arith.addi %mul3A_413, %add3A_414 : i32
          %get3A_416 = arith.index_cast %add3A_415 : i32 to index
          %get3A_417 = arith.constant 64 : index
          %get3A_418 = tpu.vector_load %arg4[%get3A_416, %get3A_417] {strides = array<i32>} : memref<400x128xf32, #tpu.memory_space<vmem>>, vector<1x16xf32>,
          %get3A_419 = vector.shape_cast %get3A_418 : vector<1x16xf32> to vector<16xf32>
          %add3A_420 = arith.addf %get3A_411, %get3A_419 : vector<16xf32>
          %mul3A_421 = arith.constant 10 : i32
          %mul3A_422 = arith.muli %scan3A_26, %mul3A_421 : i32
          %add3A_423 = arith.constant 2 : i32
          %add3A_424 = arith.addi %mul3A_422, %add3A_423 : i32
          %get3A_425 = arith.index_cast %add3A_424 : i32 to index
          %get3A_426 = arith.constant 64 : index
          %get3A_427 = tpu.vector_load %arg4[%get3A_425, %get3A_426] {strides = array<i32>} : memref<400x128xf32, #tpu.memory_space<vmem>>, vector<1x16xf32>,
          %get3A_428 = vector.shape_cast %get3A_427 : vector<1x16xf32> to vector<16xf32>
          %add3A_429 = arith.addf %add3A_420, %get3A_428 : vector<16xf32>
          %mul3A_430 = arith.constant 10 : i32
          %mul3A_431 = arith.muli %scan3A_26, %mul3A_430 : i32
          %add3A_432 = arith.constant 3 : i32
          %add3A_433 = arith.addi %mul3A_431, %add3A_432 : i32
          %get3A_434 = arith.index_cast %add3A_433 : i32 to index
          %get3A_435 = arith.constant 64 : index
          %get3A_436 = tpu.vector_load %arg4[%get3A_434, %get3A_435] {strides = array<i32>} : memref<400x128xf32, #tpu.memory_space<vmem>>, vector<1x16xf32>,
          %get3A_437 = vector.shape_cast %get3A_436 : vector<1x16xf32> to vector<16xf32>
          %add3A_438 = arith.addf %add3A_429, %get3A_437 : vector<16xf32>
          %mul3A_439 = arith.constant 10 : i32
          %mul3A_440 = arith.muli %scan3A_26, %mul3A_439 : i32
          %add3A_441 = arith.constant 4 : i32
          %add3A_442 = arith.addi %mul3A_440, %add3A_441 : i32
          %get3A_443 = arith.index_cast %add3A_442 : i32 to index
          %get3A_444 = arith.constant 64 : index
          %get3A_445 = tpu.vector_load %arg4[%get3A_443, %get3A_444] {strides = array<i32>} : memref<400x128xf32, #tpu.memory_space<vmem>>, vector<1x16xf32>,
          %get3A_446 = vector.shape_cast %get3A_445 : vector<1x16xf32> to vector<16xf32>
          %add3A_447 = arith.addf %add3A_438, %get3A_446 : vector<16xf32>
          %mul3A_448 = arith.constant 10 : i32
          %mul3A_449 = arith.muli %scan3A_26, %mul3A_448 : i32
          %add3A_450 = arith.constant 5 : i32
          %add3A_451 = arith.addi %mul3A_449, %add3A_450 : i32
          %get3A_452 = arith.index_cast %add3A_451 : i32 to index
          %get3A_453 = arith.constant 64 : index
          %get3A_454 = tpu.vector_load %arg4[%get3A_452, %get3A_453] {strides = array<i32>} : memref<400x128xf32, #tpu.memory_space<vmem>>, vector<1x16xf32>,
          %get3A_455 = vector.shape_cast %get3A_454 : vector<1x16xf32> to vector<16xf32>
          %add3A_456 = arith.addf %add3A_447, %get3A_455 : vector<16xf32>
          %mul3A_457 = arith.constant 10 : i32
          %mul3A_458 = arith.muli %scan3A_26, %mul3A_457 : i32
          %add3A_459 = arith.constant 6 : i32
          %add3A_460 = arith.addi %mul3A_458, %add3A_459 : i32
          %get3A_461 = arith.index_cast %add3A_460 : i32 to index
          %get3A_462 = arith.constant 64 : index
          %get3A_463 = tpu.vector_load %arg4[%get3A_461, %get3A_462] {strides = array<i32>} : memref<400x128xf32, #tpu.memory_space<vmem>>, vector<1x16xf32>,
          %get3A_464 = vector.shape_cast %get3A_463 : vector<1x16xf32> to vector<16xf32>
          %add3A_465 = arith.addf %add3A_456, %get3A_464 : vector<16xf32>
          %mul3A_466 = arith.constant 10 : i32
          %mul3A_467 = arith.muli %scan3A_26, %mul3A_466 : i32
          %add3A_468 = arith.constant 7 : i32
          %add3A_469 = arith.addi %mul3A_467, %add3A_468 : i32
          %get3A_470 = arith.index_cast %add3A_469 : i32 to index
          %get3A_471 = arith.constant 64 : index
          %get3A_472 = tpu.vector_load %arg4[%get3A_470, %get3A_471] {strides = array<i32>} : memref<400x128xf32, #tpu.memory_space<vmem>>, vector<1x16xf32>,
          %get3A_473 = vector.shape_cast %get3A_472 : vector<1x16xf32> to vector<16xf32>
          %add3A_474 = arith.addf %add3A_465, %get3A_473 : vector<16xf32>
          %mul3A_475 = arith.constant 10 : i32
          %mul3A_476 = arith.muli %scan3A_26, %mul3A_475 : i32
          %add3A_477 = arith.constant 8 : i32
          %add3A_478 = arith.addi %mul3A_476, %add3A_477 : i32
          %get3A_479 = arith.index_cast %add3A_478 : i32 to index
          %get3A_480 = arith.constant 64 : index
          %get3A_481 = tpu.vector_load %arg4[%get3A_479, %get3A_480] {strides = array<i32>} : memref<400x128xf32, #tpu.memory_space<vmem>>, vector<1x16xf32>,
          %get3A_482 = vector.shape_cast %get3A_481 : vector<1x16xf32> to vector<16xf32>
          %add3A_483 = arith.addf %add3A_474, %get3A_482 : vector<16xf32>
          %mul3A_484 = arith.constant 10 : i32
          %mul3A_485 = arith.muli %scan3A_26, %mul3A_484 : i32
          %add3A_486 = arith.constant 9 : i32
          %add3A_487 = arith.addi %mul3A_485, %add3A_486 : i32
          %get3A_488 = arith.index_cast %add3A_487 : i32 to index
          %get3A_489 = arith.constant 64 : index
          %get3A_490 = tpu.vector_load %arg4[%get3A_488, %get3A_489] {strides = array<i32>} : memref<400x128xf32, #tpu.memory_space<vmem>>, vector<1x16xf32>,
          %get3A_491 = vector.shape_cast %get3A_490 : vector<1x16xf32> to vector<16xf32>
          %add3A_492 = arith.addf %add3A_483, %get3A_491 : vector<16xf32>
          %mul3A_493 = arith.constant 1.000000e-01 : f32
          %mul3A_494 = vector.broadcast %mul3A_493 : f32 to vector<16xf32>
          %mul3A_495 = arith.mulf %add3A_492, %mul3A_494 : vector<16xf32>
          %swap3A_496 = arith.index_cast %scan3A_26 : i32 to index
          %swap3A_497 = arith.constant 64 : index
          %swap3A_498 = tpu.vector_load %arg5[%swap3A_496, %swap3A_497] {strides = array<i32>} : memref<40x128xf32, #tpu.memory_space<vmem>>, vector<1x16xf32>,
          %swap3A_499 = vector.shape_cast %swap3A_498 : vector<1x16xf32> to vector<16xf32>
          %swap3A_500 = vector.shape_cast %mul3A_495 : vector<16xf32> to vector<1x16xf32>
          tpu.vector_store %arg5[%swap3A_496, %swap3A_497], %swap3A_500 {strides = array<i32>} : memref<40x128xf32, #tpu.memory_space<vmem>>, vector<1x16xf32>,
          %mul3A_501 = arith.constant 10 : i32
          %mul3A_502 = arith.muli %scan3A_26, %mul3A_501 : i32
          %get3A_503 = arith.index_cast %mul3A_502 : i32 to index
          %get3A_504 = arith.constant 80 : index
          %get3A_505 = tpu.vector_load %arg4[%get3A_503, %get3A_504] {strides = array<i32>} : memref<400x128xf32, #tpu.memory_space<vmem>>, vector<1x16xf32>,
          %get3A_506 = vector.shape_cast %get3A_505 : vector<1x16xf32> to vector<16xf32>
          %mul3A_507 = arith.constant 10 : i32
          %mul3A_508 = arith.muli %scan3A_26, %mul3A_507 : i32
          %add3A_509 = arith.constant 1 : i32
          %add3A_510 = arith.addi %mul3A_508, %add3A_509 : i32
          %get3A_511 = arith.index_cast %add3A_510 : i32 to index
          %get3A_512 = arith.constant 80 : index
          %get3A_513 = tpu.vector_load %arg4[%get3A_511, %get3A_512] {strides = array<i32>} : memref<400x128xf32, #tpu.memory_space<vmem>>, vector<1x16xf32>,
          %get3A_514 = vector.shape_cast %get3A_513 : vector<1x16xf32> to vector<16xf32>
          %add3A_515 = arith.addf %get3A_506, %get3A_514 : vector<16xf32>
          %mul3A_516 = arith.constant 10 : i32
          %mul3A_517 = arith.muli %scan3A_26, %mul3A_516 : i32
          %add3A_518 = arith.constant 2 : i32
          %add3A_519 = arith.addi %mul3A_517, %add3A_518 : i32
          %get3A_520 = arith.index_cast %add3A_519 : i32 to index
          %get3A_521 = arith.constant 80 : index
          %get3A_522 = tpu.vector_load %arg4[%get3A_520, %get3A_521] {strides = array<i32>} : memref<400x128xf32, #tpu.memory_space<vmem>>, vector<1x16xf32>,
          %get3A_523 = vector.shape_cast %get3A_522 : vector<1x16xf32> to vector<16xf32>
          %add3A_524 = arith.addf %add3A_515, %get3A_523 : vector<16xf32>
          %mul3A_525 = arith.constant 10 : i32
          %mul3A_526 = arith.muli %scan3A_26, %mul3A_525 : i32
          %add3A_527 = arith.constant 3 : i32
          %add3A_528 = arith.addi %mul3A_526, %add3A_527 : i32
          %get3A_529 = arith.index_cast %add3A_528 : i32 to index
          %get3A_530 = arith.constant 80 : index
          %get3A_531 = tpu.vector_load %arg4[%get3A_529, %get3A_530] {strides = array<i32>} : memref<400x128xf32, #tpu.memory_space<vmem>>, vector<1x16xf32>,
          %get3A_532 = vector.shape_cast %get3A_531 : vector<1x16xf32> to vector<16xf32>
          %add3A_533 = arith.addf %add3A_524, %get3A_532 : vector<16xf32>
          %mul3A_534 = arith.constant 10 : i32
          %mul3A_535 = arith.muli %scan3A_26, %mul3A_534 : i32
          %add3A_536 = arith.constant 4 : i32
          %add3A_537 = arith.addi %mul3A_535, %add3A_536 : i32
          %get3A_538 = arith.index_cast %add3A_537 : i32 to index
          %get3A_539 = arith.constant 80 : index
          %get3A_540 = tpu.vector_load %arg4[%get3A_538, %get3A_539] {strides = array<i32>} : memref<400x128xf32, #tpu.memory_space<vmem>>, vector<1x16xf32>,
          %get3A_541 = vector.shape_cast %get3A_540 : vector<1x16xf32> to vector<16xf32>
          %add3A_542 = arith.addf %add3A_533, %get3A_541 : vector<16xf32>
          %mul3A_543 = arith.constant 10 : i32
          %mul3A_544 = arith.muli %scan3A_26, %mul3A_543 : i32
          %add3A_545 = arith.constant 5 : i32
          %add3A_546 = arith.addi %mul3A_544, %add3A_545 : i32
          %get3A_547 = arith.index_cast %add3A_546 : i32 to index
          %get3A_548 = arith.constant 80 : index
          %get3A_549 = tpu.vector_load %arg4[%get3A_547, %get3A_548] {strides = array<i32>} : memref<400x128xf32, #tpu.memory_space<vmem>>, vector<1x16xf32>,
          %get3A_550 = vector.shape_cast %get3A_549 : vector<1x16xf32> to vector<16xf32>
          %add3A_551 = arith.addf %add3A_542, %get3A_550 : vector<16xf32>
          %mul3A_552 = arith.constant 10 : i32
          %mul3A_553 = arith.muli %scan3A_26, %mul3A_552 : i32
          %add3A_554 = arith.constant 6 : i32
          %add3A_555 = arith.addi %mul3A_553, %add3A_554 : i32
          %get3A_556 = arith.index_cast %add3A_555 : i32 to index
          %get3A_557 = arith.constant 80 : index
          %get3A_558 = tpu.vector_load %arg4[%get3A_556, %get3A_557] {strides = array<i32>} : memref<400x128xf32, #tpu.memory_space<vmem>>, vector<1x16xf32>,
          %get3A_559 = vector.shape_cast %get3A_558 : vector<1x16xf32> to vector<16xf32>
          %add3A_560 = arith.addf %add3A_551, %get3A_559 : vector<16xf32>
          %mul3A_561 = arith.constant 10 : i32
          %mul3A_562 = arith.muli %scan3A_26, %mul3A_561 : i32
          %add3A_563 = arith.constant 7 : i32
          %add3A_564 = arith.addi %mul3A_562, %add3A_563 : i32
          %get3A_565 = arith.index_cast %add3A_564 : i32 to index
          %get3A_566 = arith.constant 80 : index
          %get3A_567 = tpu.vector_load %arg4[%get3A_565, %get3A_566] {strides = array<i32>} : memref<400x128xf32, #tpu.memory_space<vmem>>, vector<1x16xf32>,
          %get3A_568 = vector.shape_cast %get3A_567 : vector<1x16xf32> to vector<16xf32>
          %add3A_569 = arith.addf %add3A_560, %get3A_568 : vector<16xf32>
          %mul3A_570 = arith.constant 10 : i32
          %mul3A_571 = arith.muli %scan3A_26, %mul3A_570 : i32
          %add3A_572 = arith.constant 8 : i32
          %add3A_573 = arith.addi %mul3A_571, %add3A_572 : i32
          %get3A_574 = arith.index_cast %add3A_573 : i32 to index
          %get3A_575 = arith.constant 80 : index
          %get3A_576 = tpu.vector_load %arg4[%get3A_574, %get3A_575] {strides = array<i32>} : memref<400x128xf32, #tpu.memory_space<vmem>>, vector<1x16xf32>,
          %get3A_577 = vector.shape_cast %get3A_576 : vector<1x16xf32> to vector<16xf32>
          %add3A_578 = arith.addf %add3A_569, %get3A_577 : vector<16xf32>
          %mul3A_579 = arith.constant 10 : i32
          %mul3A_580 = arith.muli %scan3A_26, %mul3A_579 : i32
          %add3A_581 = arith.constant 9 : i32
          %add3A_582 = arith.addi %mul3A_580, %add3A_581 : i32
          %get3A_583 = arith.index_cast %add3A_582 : i32 to index
          %get3A_584 = arith.constant 80 : index
          %get3A_585 = tpu.vector_load %arg4[%get3A_583, %get3A_584] {strides = array<i32>} : memref<400x128xf32, #tpu.memory_space<vmem>>, vector<1x16xf32>,
          %get3A_586 = vector.shape_cast %get3A_585 : vector<1x16xf32> to vector<16xf32>
          %add3A_587 = arith.addf %add3A_578, %get3A_586 : vector<16xf32>
          %mul3A_588 = arith.constant 1.000000e-01 : f32
          %mul3A_589 = vector.broadcast %mul3A_588 : f32 to vector<16xf32>
          %mul3A_590 = arith.mulf %add3A_587, %mul3A_589 : vector<16xf32>
          %swap3A_591 = arith.index_cast %scan3A_26 : i32 to index
          %swap3A_592 = arith.constant 80 : index
          %swap3A_593 = tpu.vector_load %arg5[%swap3A_591, %swap3A_592] {strides = array<i32>} : memref<40x128xf32, #tpu.memory_space<vmem>>, vector<1x16xf32>,
          %swap3A_594 = vector.shape_cast %swap3A_593 : vector<1x16xf32> to vector<16xf32>
          %swap3A_595 = vector.shape_cast %mul3A_590 : vector<16xf32> to vector<1x16xf32>
          tpu.vector_store %arg5[%swap3A_591, %swap3A_592], %swap3A_595 {strides = array<i32>} : memref<40x128xf32, #tpu.memory_space<vmem>>, vector<1x16xf32>,
          %mul3A_596 = arith.constant 10 : i32
          %mul3A_597 = arith.muli %scan3A_26, %mul3A_596 : i32
          %get3A_598 = arith.index_cast %mul3A_597 : i32 to index
          %get3A_599 = arith.constant 96 : index
          %get3A_600 = tpu.vector_load %arg4[%get3A_598, %get3A_599] {strides = array<i32>} : memref<400x128xf32, #tpu.memory_space<vmem>>, vector<1x16xf32>,
          %get3A_601 = vector.shape_cast %get3A_600 : vector<1x16xf32> to vector<16xf32>
          %mul3A_602 = arith.constant 10 : i32
          %mul3A_603 = arith.muli %scan3A_26, %mul3A_602 : i32
          %add3A_604 = arith.constant 1 : i32
          %add3A_605 = arith.addi %mul3A_603, %add3A_604 : i32
          %get3A_606 = arith.index_cast %add3A_605 : i32 to index
          %get3A_607 = arith.constant 96 : index
          %get3A_608 = tpu.vector_load %arg4[%get3A_606, %get3A_607] {strides = array<i32>} : memref<400x128xf32, #tpu.memory_space<vmem>>, vector<1x16xf32>,
          %get3A_609 = vector.shape_cast %get3A_608 : vector<1x16xf32> to vector<16xf32>
          %add3A_610 = arith.addf %get3A_601, %get3A_609 : vector<16xf32>
          %mul3A_611 = arith.constant 10 : i32
          %mul3A_612 = arith.muli %scan3A_26, %mul3A_611 : i32
          %add3A_613 = arith.constant 2 : i32
          %add3A_614 = arith.addi %mul3A_612, %add3A_613 : i32
          %get3A_615 = arith.index_cast %add3A_614 : i32 to index
          %get3A_616 = arith.constant 96 : index
          %get3A_617 = tpu.vector_load %arg4[%get3A_615, %get3A_616] {strides = array<i32>} : memref<400x128xf32, #tpu.memory_space<vmem>>, vector<1x16xf32>,
          %get3A_618 = vector.shape_cast %get3A_617 : vector<1x16xf32> to vector<16xf32>
          %add3A_619 = arith.addf %add3A_610, %get3A_618 : vector<16xf32>
          %mul3A_620 = arith.constant 10 : i32
          %mul3A_621 = arith.muli %scan3A_26, %mul3A_620 : i32
          %add3A_622 = arith.constant 3 : i32
          %add3A_623 = arith.addi %mul3A_621, %add3A_622 : i32
          %get3A_624 = arith.index_cast %add3A_623 : i32 to index
          %get3A_625 = arith.constant 96 : index
          %get3A_626 = tpu.vector_load %arg4[%get3A_624, %get3A_625] {strides = array<i32>} : memref<400x128xf32, #tpu.memory_space<vmem>>, vector<1x16xf32>,
          %get3A_627 = vector.shape_cast %get3A_626 : vector<1x16xf32> to vector<16xf32>
          %add3A_628 = arith.addf %add3A_619, %get3A_627 : vector<16xf32>
          %mul3A_629 = arith.constant 10 : i32
          %mul3A_630 = arith.muli %scan3A_26, %mul3A_629 : i32
          %add3A_631 = arith.constant 4 : i32
          %add3A_632 = arith.addi %mul3A_630, %add3A_631 : i32
          %get3A_633 = arith.index_cast %add3A_632 : i32 to index
          %get3A_634 = arith.constant 96 : index
          %get3A_635 = tpu.vector_load %arg4[%get3A_633, %get3A_634] {strides = array<i32>} : memref<400x128xf32, #tpu.memory_space<vmem>>, vector<1x16xf32>,
          %get3A_636 = vector.shape_cast %get3A_635 : vector<1x16xf32> to vector<16xf32>
          %add3A_637 = arith.addf %add3A_628, %get3A_636 : vector<16xf32>
          %mul3A_638 = arith.constant 10 : i32
          %mul3A_639 = arith.muli %scan3A_26, %mul3A_638 : i32
          %add3A_640 = arith.constant 5 : i32
          %add3A_641 = arith.addi %mul3A_639, %add3A_640 : i32
          %get3A_642 = arith.index_cast %add3A_641 : i32 to index
          %get3A_643 = arith.constant 96 : index
          %get3A_644 = tpu.vector_load %arg4[%get3A_642, %get3A_643] {strides = array<i32>} : memref<400x128xf32, #tpu.memory_space<vmem>>, vector<1x16xf32>,
          %get3A_645 = vector.shape_cast %get3A_644 : vector<1x16xf32> to vector<16xf32>
          %add3A_646 = arith.addf %add3A_637, %get3A_645 : vector<16xf32>
          %mul3A_647 = arith.constant 10 : i32
          %mul3A_648 = arith.muli %scan3A_26, %mul3A_647 : i32
          %add3A_649 = arith.constant 6 : i32
          %add3A_650 = arith.addi %mul3A_648, %add3A_649 : i32
          %get3A_651 = arith.index_cast %add3A_650 : i32 to index
          %get3A_652 = arith.constant 96 : index
          %get3A_653 = tpu.vector_load %arg4[%get3A_651, %get3A_652] {strides = array<i32>} : memref<400x128xf32, #tpu.memory_space<vmem>>, vector<1x16xf32>,
          %get3A_654 = vector.shape_cast %get3A_653 : vector<1x16xf32> to vector<16xf32>
          %add3A_655 = arith.addf %add3A_646, %get3A_654 : vector<16xf32>
          %mul3A_656 = arith.constant 10 : i32
          %mul3A_657 = arith.muli %scan3A_26, %mul3A_656 : i32
          %add3A_658 = arith.constant 7 : i32
          %add3A_659 = arith.addi %mul3A_657, %add3A_658 : i32
          %get3A_660 = arith.index_cast %add3A_659 : i32 to index
          %get3A_661 = arith.constant 96 : index
          %get3A_662 = tpu.vector_load %arg4[%get3A_660, %get3A_661] {strides = array<i32>} : memref<400x128xf32, #tpu.memory_space<vmem>>, vector<1x16xf32>,
          %get3A_663 = vector.shape_cast %get3A_662 : vector<1x16xf32> to vector<16xf32>
          %add3A_664 = arith.addf %add3A_655, %get3A_663 : vector<16xf32>
          %mul3A_665 = arith.constant 10 : i32
          %mul3A_666 = arith.muli %scan3A_26, %mul3A_665 : i32
          %add3A_667 = arith.constant 8 : i32
          %add3A_668 = arith.addi %mul3A_666, %add3A_667 : i32
          %get3A_669 = arith.index_cast %add3A_668 : i32 to index
          %get3A_670 = arith.constant 96 : index
          %get3A_671 = tpu.vector_load %arg4[%get3A_669, %get3A_670] {strides = array<i32>} : memref<400x128xf32, #tpu.memory_space<vmem>>, vector<1x16xf32>,
          %get3A_672 = vector.shape_cast %get3A_671 : vector<1x16xf32> to vector<16xf32>
          %add3A_673 = arith.addf %add3A_664, %get3A_672 : vector<16xf32>
          %mul3A_674 = arith.constant 10 : i32
          %mul3A_675 = arith.muli %scan3A_26, %mul3A_674 : i32
          %add3A_676 = arith.constant 9 : i32
          %add3A_677 = arith.addi %mul3A_675, %add3A_676 : i32
          %get3A_678 = arith.index_cast %add3A_677 : i32 to index
          %get3A_679 = arith.constant 96 : index
          %get3A_680 = tpu.vector_load %arg4[%get3A_678, %get3A_679] {strides = array<i32>} : memref<400x128xf32, #tpu.memory_space<vmem>>, vector<1x16xf32>,
          %get3A_681 = vector.shape_cast %get3A_680 : vector<1x16xf32> to vector<16xf32>
          %add3A_682 = arith.addf %add3A_673, %get3A_681 : vector<16xf32>
          %mul3A_683 = arith.constant 1.000000e-01 : f32
          %mul3A_684 = vector.broadcast %mul3A_683 : f32 to vector<16xf32>
          %mul3A_685 = arith.mulf %add3A_682, %mul3A_684 : vector<16xf32>
          %swap3A_686 = arith.index_cast %scan3A_26 : i32 to index
          %swap3A_687 = arith.constant 96 : index
          %swap3A_688 = tpu.vector_load %arg5[%swap3A_686, %swap3A_687] {strides = array<i32>} : memref<40x128xf32, #tpu.memory_space<vmem>>, vector<1x16xf32>,
          %swap3A_689 = vector.shape_cast %swap3A_688 : vector<1x16xf32> to vector<16xf32>
          %swap3A_690 = vector.shape_cast %mul3A_685 : vector<16xf32> to vector<1x16xf32>
          tpu.vector_store %arg5[%swap3A_686, %swap3A_687], %swap3A_690 {strides = array<i32>} : memref<40x128xf32, #tpu.memory_space<vmem>>, vector<1x16xf32>,
          %mul3A_691 = arith.constant 10 : i32
          %mul3A_692 = arith.muli %scan3A_26, %mul3A_691 : i32
          %get3A_693 = arith.index_cast %mul3A_692 : i32 to index
          %get3A_694 = arith.constant 112 : index
          %get3A_695 = tpu.vector_load %arg4[%get3A_693, %get3A_694] {strides = array<i32>} : memref<400x128xf32, #tpu.memory_space<vmem>>, vector<1x16xf32>,
          %get3A_696 = vector.shape_cast %get3A_695 : vector<1x16xf32> to vector<16xf32>
          %mul3A_697 = arith.constant 10 : i32
          %mul3A_698 = arith.muli %scan3A_26, %mul3A_697 : i32
          %add3A_699 = arith.constant 1 : i32
          %add3A_700 = arith.addi %mul3A_698, %add3A_699 : i32
          %get3A_701 = arith.index_cast %add3A_700 : i32 to index
          %get3A_702 = arith.constant 112 : index
          %get3A_703 = tpu.vector_load %arg4[%get3A_701, %get3A_702] {strides = array<i32>} : memref<400x128xf32, #tpu.memory_space<vmem>>, vector<1x16xf32>,
          %get3A_704 = vector.shape_cast %get3A_703 : vector<1x16xf32> to vector<16xf32>
          %add3A_705 = arith.addf %get3A_696, %get3A_704 : vector<16xf32>
          %mul3A_706 = arith.constant 10 : i32
          %mul3A_707 = arith.muli %scan3A_26, %mul3A_706 : i32
          %add3A_708 = arith.constant 2 : i32
          %add3A_709 = arith.addi %mul3A_707, %add3A_708 : i32
          %get3A_710 = arith.index_cast %add3A_709 : i32 to index
          %get3A_711 = arith.constant 112 : index
          %get3A_712 = tpu.vector_load %arg4[%get3A_710, %get3A_711] {strides = array<i32>} : memref<400x128xf32, #tpu.memory_space<vmem>>, vector<1x16xf32>,
          %get3A_713 = vector.shape_cast %get3A_712 : vector<1x16xf32> to vector<16xf32>
          %add3A_714 = arith.addf %add3A_705, %get3A_713 : vector<16xf32>
          %mul3A_715 = arith.constant 10 : i32
          %mul3A_716 = arith.muli %scan3A_26, %mul3A_715 : i32
          %add3A_717 = arith.constant 3 : i32
          %add3A_718 = arith.addi %mul3A_716, %add3A_717 : i32
          %get3A_719 = arith.index_cast %add3A_718 : i32 to index
          %get3A_720 = arith.constant 112 : index
          %get3A_721 = tpu.vector_load %arg4[%get3A_719, %get3A_720] {strides = array<i32>} : memref<400x128xf32, #tpu.memory_space<vmem>>, vector<1x16xf32>,
          %get3A_722 = vector.shape_cast %get3A_721 : vector<1x16xf32> to vector<16xf32>
          %add3A_723 = arith.addf %add3A_714, %get3A_722 : vector<16xf32>
          %mul3A_724 = arith.constant 10 : i32
          %mul3A_725 = arith.muli %scan3A_26, %mul3A_724 : i32
          %add3A_726 = arith.constant 4 : i32
          %add3A_727 = arith.addi %mul3A_725, %add3A_726 : i32
          %get3A_728 = arith.index_cast %add3A_727 : i32 to index
          %get3A_729 = arith.constant 112 : index
          %get3A_730 = tpu.vector_load %arg4[%get3A_728, %get3A_729] {strides = array<i32>} : memref<400x128xf32, #tpu.memory_space<vmem>>, vector<1x16xf32>,
          %get3A_731 = vector.shape_cast %get3A_730 : vector<1x16xf32> to vector<16xf32>
          %add3A_732 = arith.addf %add3A_723, %get3A_731 : vector<16xf32>
          %mul3A_733 = arith.constant 10 : i32
          %mul3A_734 = arith.muli %scan3A_26, %mul3A_733 : i32
          %add3A_735 = arith.constant 5 : i32
          %add3A_736 = arith.addi %mul3A_734, %add3A_735 : i32
          %get3A_737 = arith.index_cast %add3A_736 : i32 to index
          %get3A_738 = arith.constant 112 : index
          %get3A_739 = tpu.vector_load %arg4[%get3A_737, %get3A_738] {strides = array<i32>} : memref<400x128xf32, #tpu.memory_space<vmem>>, vector<1x16xf32>,
          %get3A_740 = vector.shape_cast %get3A_739 : vector<1x16xf32> to vector<16xf32>
          %add3A_741 = arith.addf %add3A_732, %get3A_740 : vector<16xf32>
          %mul3A_742 = arith.constant 10 : i32
          %mul3A_743 = arith.muli %scan3A_26, %mul3A_742 : i32
          %add3A_744 = arith.constant 6 : i32
          %add3A_745 = arith.addi %mul3A_743, %add3A_744 : i32
          %get3A_746 = arith.index_cast %add3A_745 : i32 to index
          %get3A_747 = arith.constant 112 : index
          %get3A_748 = tpu.vector_load %arg4[%get3A_746, %get3A_747] {strides = array<i32>} : memref<400x128xf32, #tpu.memory_space<vmem>>, vector<1x16xf32>,
          %get3A_749 = vector.shape_cast %get3A_748 : vector<1x16xf32> to vector<16xf32>
          %add3A_750 = arith.addf %add3A_741, %get3A_749 : vector<16xf32>
          %mul3A_751 = arith.constant 10 : i32
          %mul3A_752 = arith.muli %scan3A_26, %mul3A_751 : i32
          %add3A_753 = arith.constant 7 : i32
          %add3A_754 = arith.addi %mul3A_752, %add3A_753 : i32
          %get3A_755 = arith.index_cast %add3A_754 : i32 to index
          %get3A_756 = arith.constant 112 : index
          %get3A_757 = tpu.vector_load %arg4[%get3A_755, %get3A_756] {strides = array<i32>} : memref<400x128xf32, #tpu.memory_space<vmem>>, vector<1x16xf32>,
          %get3A_758 = vector.shape_cast %get3A_757 : vector<1x16xf32> to vector<16xf32>
          %add3A_759 = arith.addf %add3A_750, %get3A_758 : vector<16xf32>
          %mul3A_760 = arith.constant 10 : i32
          %mul3A_761 = arith.muli %scan3A_26, %mul3A_760 : i32
          %add3A_762 = arith.constant 8 : i32
          %add3A_763 = arith.addi %mul3A_761, %add3A_762 : i32
          %get3A_764 = arith.index_cast %add3A_763 : i32 to index
          %get3A_765 = arith.constant 112 : index
          %get3A_766 = tpu.vector_load %arg4[%get3A_764, %get3A_765] {strides = array<i32>} : memref<400x128xf32, #tpu.memory_space<vmem>>, vector<1x16xf32>,
          %get3A_767 = vector.shape_cast %get3A_766 : vector<1x16xf32> to vector<16xf32>
          %add3A_768 = arith.addf %add3A_759, %get3A_767 : vector<16xf32>
          %mul3A_769 = arith.constant 10 : i32
          %mul3A_770 = arith.muli %scan3A_26, %mul3A_769 : i32
          %add3A_771 = arith.constant 9 : i32
          %add3A_772 = arith.addi %mul3A_770, %add3A_771 : i32
          %get3A_773 = arith.index_cast %add3A_772 : i32 to index
          %get3A_774 = arith.constant 112 : index
          %get3A_775 = tpu.vector_load %arg4[%get3A_773, %get3A_774] {strides = array<i32>} : memref<400x128xf32, #tpu.memory_space<vmem>>, vector<1x16xf32>,
          %get3A_776 = vector.shape_cast %get3A_775 : vector<1x16xf32> to vector<16xf32>
          %add3A_777 = arith.addf %add3A_768, %get3A_776 : vector<16xf32>
          %mul3A_778 = arith.constant 1.000000e-01 : f32
          %mul3A_779 = vector.broadcast %mul3A_778 : f32 to vector<16xf32>
          %mul3A_780 = arith.mulf %add3A_777, %mul3A_779 : vector<16xf32>
          %swap3A_781 = arith.index_cast %scan3A_26 : i32 to index
          %swap3A_782 = arith.constant 112 : index
          %swap3A_783 = tpu.vector_load %arg5[%swap3A_781, %swap3A_782] {strides = array<i32>} : memref<40x128xf32, #tpu.memory_space<vmem>>, vector<1x16xf32>,
          %swap3A_784 = vector.shape_cast %swap3A_783 : vector<1x16xf32> to vector<16xf32>
          %swap3A_785 = vector.shape_cast %mul3A_780 : vector<16xf32> to vector<1x16xf32>
          tpu.vector_store %arg5[%swap3A_781, %swap3A_782], %swap3A_785 {strides = array<i32>} : memref<40x128xf32, #tpu.memory_space<vmem>>, vector<1x16xf32>,
          %scan3A_786 = arith.constant 0 : i32
          scf.yield %scan3A_786 : i32
        }
        %scan3A_25 = arith.constant 40 : i32
        "tpu.region"() ({
          %run_scoped3A = tpu.sem_alloc : memref<!tpu.dma_semaphore, #tpu.memory_space<semaphore_mem>>
          %dma_start3A = arith.constant 0 : i32
          %dma_start3A_26 = tpu.memref_slice %arg3[%mul3A_16, %dma_start3A] : memref<50000x128xf32, #tpu.memory_space<hbm>> -> memref<40x128xf32, #tpu.memory_space<hbm>>
          %dma_start3A_27 = arith.constant 0 : i32
          %dma_start3A_28 = tpu.memref_slice %arg3[%mul3A_16, %dma_start3A_27] : memref<50000x128xf32, #tpu.memory_space<hbm>> -> memref<40x128xf32, #tpu.memory_space<hbm>>
          tpu.enqueue_dma source(%arg5 : memref<40x128xf32, #tpu.memory_space<vmem>>) target(%dma_start3A_28 : memref<40x128xf32, #tpu.memory_space<hbm>>) target_semaphore(%run_scoped3A : memref<!tpu.dma_semaphore, #tpu.memory_space<semaphore_mem>>)
          %dma_wait3A = arith.constant 0 : i32
          %dma_wait3A_29 = tpu.memref_slice %arg3[%mul3A_16, %dma_wait3A] : memref<50000x128xf32, #tpu.memory_space<hbm>> -> memref<40x128xf32, #tpu.memory_space<hbm>>
          %dma_wait3A_30 = arith.constant 0 : i32
          %dma_wait3A_31 = tpu.memref_slice %arg3[%mul3A_16, %dma_wait3A_30] : memref<50000x128xf32, #tpu.memory_space<hbm>> -> memref<40x128xf32, #tpu.memory_space<hbm>>
          tpu.wait_dma2 semaphore(%run_scoped3A : memref<!tpu.dma_semaphore, #tpu.memory_space<semaphore_mem>>) src(%arg5 : memref<40x128xf32, #tpu.memory_space<vmem>>) dst(%dma_wait3A_31 : memref<40x128xf32, #tpu.memory_space<hbm>>)
          tpu.yield
        }) : () -> ()
      } else {
      }
      %scan3A_14 = arith.constant 0 : i32
      scf.yield %scan3A_14 : i32
    }
    %scan3A_6 = arith.constant 40 : i32
    return
  }
}

module attributes {stable_mosaic.version = 14 : i64} {
  func.func @_tc_body(%arg0: i32, %arg1: memref<400x128xf32, #tpu.memory_space<vmem>>, %arg2: memref<2000x128xf32, #tpu.memory_space<vmem>>, %arg3: memref<2000x128xf32, #tpu.memory_space<vmem>>, %arg4: memref<128x128xf32, #tpu.memory_space<vmem>>, %arg5: memref<128x128xf32, #tpu.memory_space<vmem>>, %arg6: memref<128x128xf32, #tpu.memory_space<vmem>>, %arg7: memref<128x128xf32, #tpu.memory_space<vmem>>, %arg8: memref<400x128xf32, #tpu.memory_space<vmem>>) attributes {dimension_semantics = [#tpu.dimension_semantics<parallel>], iteration_bounds = array<i64: 25>, scalar_prefetch = 0 : i64, scratch_operands = 0 : i64, tpu.core_type = #tpu.core_type<tc>, window_params = [{transform_indices = @transform_0, window_bounds = array<i64: 400, 128>}, {transform_indices = @transform_1, window_bounds = array<i64: 2000, 128>}, {transform_indices = @transform_2, window_bounds = array<i64: 2000, 128>}, {pipeline_mode = #tpu.pipeline_mode<synchronous>, transform_indices = @transform_3, window_bounds = array<i64: 128, 128>}, {pipeline_mode = #tpu.pipeline_mode<synchronous>, transform_indices = @transform_4, window_bounds = array<i64: 128, 128>}, {pipeline_mode = #tpu.pipeline_mode<synchronous>, transform_indices = @transform_5, window_bounds = array<i64: 128, 128>}, {pipeline_mode = #tpu.pipeline_mode<synchronous>, transform_indices = @transform_6, window_bounds = array<i64: 128, 128>}, {transform_indices = @transform_7, window_bounds = array<i64: 400, 128>}]} {
    %get3A = arith.constant 0 : index
    %get3A_0 = arith.constant 0 : index
    %get3A_1 = vector.load %arg4[%get3A, %get3A_0] : memref<128x128xf32, #tpu.memory_space<vmem>>, vector<128x128xf32>
    %get3A_2 = arith.constant 0 : index
    %get3A_3 = arith.constant 0 : index
    %get3A_4 = vector.load %arg5[%get3A_2, %get3A_3] : memref<128x128xf32, #tpu.memory_space<vmem>>, vector<128x128xf32>
    %get3A_5 = arith.constant 0 : index
    %get3A_6 = arith.constant 0 : index
    %get3A_7 = tpu.strided_load %arg2[%get3A_5, %get3A_6] {strides = array<i32: 5, 1>} : memref<2000x128xf32, #tpu.memory_space<vmem>>, vector<400x128xf32>
    %get3A_8 = arith.constant 0 : index
    %get3A_9 = arith.constant 0 : index
    %get3A_10 = tpu.strided_load %arg3[%get3A_8, %get3A_9] {strides = array<i32: 5, 1>} : memref<2000x128xf32, #tpu.memory_space<vmem>>, vector<400x128xf32>
    %dot_general3A = arith.constant dense<0.000000e+00> : vector<400x128xf32>
    %dot_general3A_11 = tpu.matmul %get3A_7, %get3A_1, %dot_general3A {dimension_numbers = #tpu.dot_dimension_numbers<[1], [0], [0], [1], [0, 0, 1, 1], [], []>, transpose_lhs_hint = false} : vector<400x128xf32>, vector<128x128xf32>, vector<400x128xf32> -> vector<400x128xf32>
    %dot_general3A_12 = arith.constant dense<0.000000e+00> : vector<400x128xf32>
    %dot_general3A_13 = tpu.matmul %get3A_10, %get3A_4, %dot_general3A_12 {dimension_numbers = #tpu.dot_dimension_numbers<[1], [0], [0], [1], [0, 0, 1, 1], [], []>, transpose_lhs_hint = false} : vector<400x128xf32>, vector<128x128xf32>, vector<400x128xf32> -> vector<400x128xf32>
    %add3A = arith.addf %dot_general3A_11, %dot_general3A_13 : vector<400x128xf32>
    %max3A = arith.constant 0.000000e+00 : f32
    %max3A_14 = vector.broadcast %max3A : f32 to vector<400x128xf32>
    %max3A_15 = arith.maximumf %add3A, %max3A_14 : vector<400x128xf32>
    %get3A_16 = arith.constant 1 : index
    %get3A_17 = arith.constant 0 : index
    %get3A_18 = tpu.strided_load %arg2[%get3A_16, %get3A_17] {strides = array<i32: 5, 1>} : memref<2000x128xf32, #tpu.memory_space<vmem>>, vector<400x128xf32>
    %get3A_19 = arith.constant 1 : index
    %get3A_20 = arith.constant 0 : index
    %get3A_21 = tpu.strided_load %arg3[%get3A_19, %get3A_20] {strides = array<i32: 5, 1>} : memref<2000x128xf32, #tpu.memory_space<vmem>>, vector<400x128xf32>
    %dot_general3A_22 = arith.constant dense<0.000000e+00> : vector<400x128xf32>
    %dot_general3A_23 = tpu.matmul %get3A_18, %get3A_1, %dot_general3A_22 {dimension_numbers = #tpu.dot_dimension_numbers<[1], [0], [0], [1], [0, 0, 1, 1], [], []>, transpose_lhs_hint = false} : vector<400x128xf32>, vector<128x128xf32>, vector<400x128xf32> -> vector<400x128xf32>
    %dot_general3A_24 = arith.constant dense<0.000000e+00> : vector<400x128xf32>
    %dot_general3A_25 = tpu.matmul %get3A_21, %get3A_4, %dot_general3A_24 {dimension_numbers = #tpu.dot_dimension_numbers<[1], [0], [0], [1], [0, 0, 1, 1], [], []>, transpose_lhs_hint = false} : vector<400x128xf32>, vector<128x128xf32>, vector<400x128xf32> -> vector<400x128xf32>
    %add3A_26 = arith.addf %dot_general3A_23, %dot_general3A_25 : vector<400x128xf32>
    %max3A_27 = arith.constant 0.000000e+00 : f32
    %max3A_28 = vector.broadcast %max3A_27 : f32 to vector<400x128xf32>
    %max3A_29 = arith.maximumf %add3A_26, %max3A_28 : vector<400x128xf32>
    %add3A_30 = arith.addf %get3A_7, %get3A_18 : vector<400x128xf32>
    %add3A_31 = arith.addf %max3A_15, %max3A_29 : vector<400x128xf32>
    %get3A_32 = arith.constant 2 : index
    %get3A_33 = arith.constant 0 : index
    %get3A_34 = tpu.strided_load %arg2[%get3A_32, %get3A_33] {strides = array<i32: 5, 1>} : memref<2000x128xf32, #tpu.memory_space<vmem>>, vector<400x128xf32>
    %get3A_35 = arith.constant 2 : index
    %get3A_36 = arith.constant 0 : index
    %get3A_37 = tpu.strided_load %arg3[%get3A_35, %get3A_36] {strides = array<i32: 5, 1>} : memref<2000x128xf32, #tpu.memory_space<vmem>>, vector<400x128xf32>
    %dot_general3A_38 = arith.constant dense<0.000000e+00> : vector<400x128xf32>
    %dot_general3A_39 = tpu.matmul %get3A_34, %get3A_1, %dot_general3A_38 {dimension_numbers = #tpu.dot_dimension_numbers<[1], [0], [0], [1], [0, 0, 1, 1], [], []>, transpose_lhs_hint = false} : vector<400x128xf32>, vector<128x128xf32>, vector<400x128xf32> -> vector<400x128xf32>
    %dot_general3A_40 = arith.constant dense<0.000000e+00> : vector<400x128xf32>
    %dot_general3A_41 = tpu.matmul %get3A_37, %get3A_4, %dot_general3A_40 {dimension_numbers = #tpu.dot_dimension_numbers<[1], [0], [0], [1], [0, 0, 1, 1], [], []>, transpose_lhs_hint = false} : vector<400x128xf32>, vector<128x128xf32>, vector<400x128xf32> -> vector<400x128xf32>
    %add3A_42 = arith.addf %dot_general3A_39, %dot_general3A_41 : vector<400x128xf32>
    %max3A_43 = arith.constant 0.000000e+00 : f32
    %max3A_44 = vector.broadcast %max3A_43 : f32 to vector<400x128xf32>
    %max3A_45 = arith.maximumf %add3A_42, %max3A_44 : vector<400x128xf32>
    %add3A_46 = arith.addf %add3A_30, %get3A_34 : vector<400x128xf32>
    %add3A_47 = arith.addf %add3A_31, %max3A_45 : vector<400x128xf32>
    %get3A_48 = arith.constant 3 : index
    %get3A_49 = arith.constant 0 : index
    %get3A_50 = tpu.strided_load %arg2[%get3A_48, %get3A_49] {strides = array<i32: 5, 1>} : memref<2000x128xf32, #tpu.memory_space<vmem>>, vector<400x128xf32>
    %get3A_51 = arith.constant 3 : index
    %get3A_52 = arith.constant 0 : index
    %get3A_53 = tpu.strided_load %arg3[%get3A_51, %get3A_52] {strides = array<i32: 5, 1>} : memref<2000x128xf32, #tpu.memory_space<vmem>>, vector<400x128xf32>
    %dot_general3A_54 = arith.constant dense<0.000000e+00> : vector<400x128xf32>
    %dot_general3A_55 = tpu.matmul %get3A_50, %get3A_1, %dot_general3A_54 {dimension_numbers = #tpu.dot_dimension_numbers<[1], [0], [0], [1], [0, 0, 1, 1], [], []>, transpose_lhs_hint = false} : vector<400x128xf32>, vector<128x128xf32>, vector<400x128xf32> -> vector<400x128xf32>
    %dot_general3A_56 = arith.constant dense<0.000000e+00> : vector<400x128xf32>
    %dot_general3A_57 = tpu.matmul %get3A_53, %get3A_4, %dot_general3A_56 {dimension_numbers = #tpu.dot_dimension_numbers<[1], [0], [0], [1], [0, 0, 1, 1], [], []>, transpose_lhs_hint = false} : vector<400x128xf32>, vector<128x128xf32>, vector<400x128xf32> -> vector<400x128xf32>
    %add3A_58 = arith.addf %dot_general3A_55, %dot_general3A_57 : vector<400x128xf32>
    %max3A_59 = arith.constant 0.000000e+00 : f32
    %max3A_60 = vector.broadcast %max3A_59 : f32 to vector<400x128xf32>
    %max3A_61 = arith.maximumf %add3A_58, %max3A_60 : vector<400x128xf32>
    %add3A_62 = arith.addf %add3A_46, %get3A_50 : vector<400x128xf32>
    %add3A_63 = arith.addf %add3A_47, %max3A_61 : vector<400x128xf32>
    %get3A_64 = arith.constant 4 : index
    %get3A_65 = arith.constant 0 : index
    %get3A_66 = tpu.strided_load %arg2[%get3A_64, %get3A_65] {strides = array<i32: 5, 1>} : memref<2000x128xf32, #tpu.memory_space<vmem>>, vector<400x128xf32>
    %get3A_67 = arith.constant 4 : index
    %get3A_68 = arith.constant 0 : index
    %get3A_69 = tpu.strided_load %arg3[%get3A_67, %get3A_68] {strides = array<i32: 5, 1>} : memref<2000x128xf32, #tpu.memory_space<vmem>>, vector<400x128xf32>
    %dot_general3A_70 = arith.constant dense<0.000000e+00> : vector<400x128xf32>
    %dot_general3A_71 = tpu.matmul %get3A_66, %get3A_1, %dot_general3A_70 {dimension_numbers = #tpu.dot_dimension_numbers<[1], [0], [0], [1], [0, 0, 1, 1], [], []>, transpose_lhs_hint = false} : vector<400x128xf32>, vector<128x128xf32>, vector<400x128xf32> -> vector<400x128xf32>
    %dot_general3A_72 = arith.constant dense<0.000000e+00> : vector<400x128xf32>
    %dot_general3A_73 = tpu.matmul %get3A_69, %get3A_4, %dot_general3A_72 {dimension_numbers = #tpu.dot_dimension_numbers<[1], [0], [0], [1], [0, 0, 1, 1], [], []>, transpose_lhs_hint = false} : vector<400x128xf32>, vector<128x128xf32>, vector<400x128xf32> -> vector<400x128xf32>
    %add3A_74 = arith.addf %dot_general3A_71, %dot_general3A_73 : vector<400x128xf32>
    %max3A_75 = arith.constant 0.000000e+00 : f32
    %max3A_76 = vector.broadcast %max3A_75 : f32 to vector<400x128xf32>
    %max3A_77 = arith.maximumf %add3A_74, %max3A_76 : vector<400x128xf32>
    %add3A_78 = arith.addf %add3A_62, %get3A_66 : vector<400x128xf32>
    %add3A_79 = arith.addf %add3A_63, %max3A_77 : vector<400x128xf32>
    %get3A_80 = arith.constant 0 : index
    %get3A_81 = arith.constant 0 : index
    %get3A_82 = vector.load %arg1[%get3A_80, %get3A_81] : memref<400x128xf32, #tpu.memory_space<vmem>>, vector<400x128xf32>
    %dot_general3A_83 = arith.constant dense<0.000000e+00> : vector<400x128xf32>
    %dot_general3A_84 = tpu.matmul %get3A_82, %get3A_1, %dot_general3A_83 {dimension_numbers = #tpu.dot_dimension_numbers<[1], [0], [0], [1], [0, 0, 1, 1], [], []>, transpose_lhs_hint = false} : vector<400x128xf32>, vector<128x128xf32>, vector<400x128xf32> -> vector<400x128xf32>
    %mul3A = arith.constant 2.000000e-01 : f32
    %mul3A_85 = vector.broadcast %mul3A : f32 to vector<400x128xf32>
    %mul3A_86 = arith.mulf %add3A_78, %mul3A_85 : vector<400x128xf32>
    %dot_general3A_87 = arith.constant dense<0.000000e+00> : vector<400x128xf32>
    %dot_general3A_88 = tpu.matmul %mul3A_86, %get3A_4, %dot_general3A_87 {dimension_numbers = #tpu.dot_dimension_numbers<[1], [0], [0], [1], [0, 0, 1, 1], [], []>, transpose_lhs_hint = false} : vector<400x128xf32>, vector<128x128xf32>, vector<400x128xf32> -> vector<400x128xf32>
    %add3A_89 = arith.addf %dot_general3A_84, %dot_general3A_88 : vector<400x128xf32>
    %max3A_90 = arith.constant 0.000000e+00 : f32
    %max3A_91 = vector.broadcast %max3A_90 : f32 to vector<400x128xf32>
    %max3A_92 = arith.maximumf %add3A_89, %max3A_91 : vector<400x128xf32>
    %get3A_93 = arith.constant 0 : index
    %get3A_94 = arith.constant 0 : index
    %get3A_95 = vector.load %arg6[%get3A_93, %get3A_94] : memref<128x128xf32, #tpu.memory_space<vmem>>, vector<128x128xf32>
    %dot_general3A_96 = arith.constant dense<0.000000e+00> : vector<400x128xf32>
    %dot_general3A_97 = tpu.matmul %max3A_92, %get3A_95, %dot_general3A_96 {dimension_numbers = #tpu.dot_dimension_numbers<[1], [0], [0], [1], [0, 0, 1, 1], [], []>, transpose_lhs_hint = false} : vector<400x128xf32>, vector<128x128xf32>, vector<400x128xf32> -> vector<400x128xf32>
    %mul3A_98 = arith.constant 2.000000e-01 : f32
    %mul3A_99 = vector.broadcast %mul3A_98 : f32 to vector<400x128xf32>
    %mul3A_100 = arith.mulf %add3A_79, %mul3A_99 : vector<400x128xf32>
    %get3A_101 = arith.constant 0 : index
    %get3A_102 = arith.constant 0 : index
    %get3A_103 = vector.load %arg7[%get3A_101, %get3A_102] : memref<128x128xf32, #tpu.memory_space<vmem>>, vector<128x128xf32>
    %dot_general3A_104 = arith.constant dense<0.000000e+00> : vector<400x128xf32>
    %dot_general3A_105 = tpu.matmul %mul3A_100, %get3A_103, %dot_general3A_104 {dimension_numbers = #tpu.dot_dimension_numbers<[1], [0], [0], [1], [0, 0, 1, 1], [], []>, transpose_lhs_hint = false} : vector<400x128xf32>, vector<128x128xf32>, vector<400x128xf32> -> vector<400x128xf32>
    %add3A_106 = arith.addf %dot_general3A_97, %dot_general3A_105 : vector<400x128xf32>
    %swap3A = arith.constant 0 : index
    %swap3A_107 = arith.constant 0 : index
    %swap3A_108 = vector.load %arg8[%swap3A, %swap3A_107] : memref<400x128xf32, #tpu.memory_space<vmem>>, vector<400x128xf32>
    tpu.vector_store %arg8[%swap3A, %swap3A_107], %add3A_106 {strides = array<i32>} : memref<400x128xf32, #tpu.memory_space<vmem>>, vector<400x128xf32>,
    return
  }
  func.func @transform_0(%arg0: i32) -> (i32, i32) {
    %c0_i32 = arith.constant 0 : i32
    %c0_i32_0 = arith.constant 0 : i32
    return %arg0, %c0_i32 : i32, i32
  }
  func.func @transform_1(%arg0: i32) -> (i32, i32) {
    %c0_i32 = arith.constant 0 : i32
    %c0_i32_0 = arith.constant 0 : i32
    return %arg0, %c0_i32 : i32, i32
  }
  func.func @transform_2(%arg0: i32) -> (i32, i32) {
    %c0_i32 = arith.constant 0 : i32
    %c0_i32_0 = arith.constant 0 : i32
    return %arg0, %c0_i32 : i32, i32
  }
  func.func @transform_3(%arg0: i32) -> (i32, i32) {
    %c0_i32 = arith.constant 0 : i32
    %c0_i32_0 = arith.constant 0 : i32
    %c0_i32_1 = arith.constant 0 : i32
    return %c0_i32, %c0_i32_0 : i32, i32
  }
  func.func @transform_4(%arg0: i32) -> (i32, i32) {
    %c0_i32 = arith.constant 0 : i32
    %c0_i32_0 = arith.constant 0 : i32
    %c0_i32_1 = arith.constant 0 : i32
    return %c0_i32, %c0_i32_0 : i32, i32
  }
  func.func @transform_5(%arg0: i32) -> (i32, i32) {
    %c0_i32 = arith.constant 0 : i32
    %c0_i32_0 = arith.constant 0 : i32
    %c0_i32_1 = arith.constant 0 : i32
    return %c0_i32, %c0_i32_0 : i32, i32
  }
  func.func @transform_6(%arg0: i32) -> (i32, i32) {
    %c0_i32 = arith.constant 0 : i32
    %c0_i32_0 = arith.constant 0 : i32
    %c0_i32_1 = arith.constant 0 : i32
    return %c0_i32, %c0_i32_0 : i32, i32
  }
  func.func @transform_7(%arg0: i32) -> (i32, i32) {
    %c0_i32 = arith.constant 0 : i32
    %c0_i32_0 = arith.constant 0 : i32
    return %arg0, %c0_i32 : i32, i32
  }
}

</mosaic_0001>

<sc_bundles>
// kernel: kernel.4.cloned.1.call-start
scs
__scs_entry_jumppad:
0x0: {  	(pc) =	sbr.rel $0x88, $3  }
0x1: {  	(tag) =	ssettag $0x0;
	lr =	simm.s32 $0x1  }
0x2: {  	[smem:$0x3F9A] =	sst lr;
	_ =	strace $0xD0000000  }
0x3: {  	_ = 	snop  }
0x4: {  	_ = 	snop  }
0x5: {  	_ = 	snop  }
0x6: {  	_ = 	snop  }
0x7: {  	_ = 	snop  }
__scs_overlays_trampoline_lowered:
0x8: {  	[smem:$0x3FA9] =	sst s0  }
0x9: {  	[smem:$0x3FAA] =	sst s1  }
0xa: {  	[smem:$0x3FAB] =	sst s2  }
0xb: {  	[smem:$0x3FAC] =	sst s3  }
0xc: {  	[smem:$0x3FAD] =	sst s4  }
0xd: {  	[smem:$0x3FAE] =	sst s5  }
0xe: {  	[smem:$0x3FAF] =	sst s6  }
0xf: {  	[smem:$0x3FB0] =	sst s7  }
0x10: {  	[smem:$0x3FB1] =	sst s8  }
0x11: {  	[smem:$0x3FB2] =	sst s9;
	s0 =	simm.s32 @!p0 $0x0  }
0x12: {  	s1 =	sld [smem:$0x3F98];
	s0 =	simm.s32 @p0 $0x1  }
0x13: {  	[smem:$0x3FB3] =	sst s0;
	s0 =	simm.s32 @!p1 $0x0  }
0x14: {  	s2 =	sld [smem:$0x3F97];
	s0 =	simm.s32 @p1 $0x1  }
0x15: {  	[smem:$0x3FB4] =	sst s0;
	s0 =	simm.s32 @!p2 $0x0  }
0x16: {  	s3 =	sld [smem:$0x3FDB];
	s0 =	simm.s32 @p2 $0x1  }
0x17: {  	s4 =	simm.s32 $0x1BF5;
	[smem:$0x3FB6] =	sst s0  }
0x18: {  	s0 =	sld [smem:$0x3F99];
	_ =	swait.ge [sflag:s4], $0x0  }
0x19: {  	s7 =	sld [smem:$0x3F9A]  }
0x1a: {  	s8 =	sadd.s32 $0xFFFFE003, lr  }
0x1b: {  	s9 =	sadd.s32 $0xFFFFFEF7, lr;
	s5 =	simm.s32 $0xFFFFFFFF;
	p2 =	slt.u32 s8, $0xFFFFF086  }
0x1c: {  	p1 =	slt.u32 s9, $0xF7A;
	s5 =	simm.s32 @!p2 $0x0  }
0x1d: {  	s5 =	simm.s32 @p1 $0x1;
	p0 =	seq.s32 s7, s2  }
0x1e: {  	s7 =	smul.u32 @!p0 $0xF7A, s2;
	p2 =	seq.s32 @!p0 s5, $0x0  }
0x1f: {  	s9 =	smul.u32 $0xF7A, s1;
	s8 =	simm.s32 @!p0 $0x1BF5;
	p2 =	por !p2, p0  }
0x20: {  	[sflag:s8] =	ssyncset.s32 @!p0 $0xFFFFF086;
	s6 =	sadd.s32 @!p0 s3, s7;
	s7 =	simm.s32 @!p0 $0x108  }
0x21: {  	s3 =	sadd.s32 s3, s9;
	s6 =	sadd.s32 @!p0 $0x88, s6;
	s7 =	simm.s32 @p2 $0x1082  }
0x22: {  	[simem:s7], [sflag:s8] =	dma.local @!p0 [hbm:s6], $0xF7A  }
0x23: {  	s9 =	sor.u32 $0xD0000000, s2;
	s6 =	simm.s32 $0x108;
	_ =	swait.ge @!p0 [sflag:s8], $0x0  }
0x24: {  	s3 =	sadd.s32 $0x88, s3;
	s6 =	simm.s32 @!p1 $0x1082;
	[sflag:s4] =	ssyncset.s32 $0xFFFFF086  }
0x25: {  	[simem:s6], [sflag:s4] =	dma.local [hbm:s3], $0xF7A  }
0x26: {  	[smem:$0x3F9A] =	sst s1;
	(tag) =	ssettag s2;
	_ =	strace s9  }
0x27: {  	s1 =	sld [smem:$0x3FAA]  }
0x28: {  	s2 =	sld [smem:$0x3FAB]  }
0x29: {  	s4 =	sld [smem:$0x3FAD]  }
0x2a: {  	p0 =	seq.s32 s5, $0x0;
	s5 =	sld [smem:$0x3FAE]  }
0x2b: {  	s6 =	sld [smem:$0x3FAF]  }
0x2c: {  	s7 =	sld [smem:$0x3FB0]  }
0x2d: {  	s3 =	simm.s32 $0x108;
	s8 =	sld [smem:$0x3FB1]  }
0x2e: {  	s3 =	simm.s32 @!p0 $0x1082;
	s9 =	sld [smem:$0x3FB2]  }
0x2f: {  	lr =	sadd.s32 s0, s3;
	s0 =	sld [smem:$0x3FA9]  }
0x30: {  	s3 =	sld [smem:$0x3FAC]  }
0x31: {  	[smem:$0x3FB5] =	sst s10  }
0x32: {  	s10 =	sld [smem:$0x3FB3];
	_ =	sdelay $0x3  }
0x33: {  	p0 =	seq.s32 s10, $0x1;
	s10 =	sld [smem:$0x3FB5];
	_ =	sdelay $0x3  }
0x34: {  	[smem:$0x3FB5] =	sst s10  }
0x35: {  	s10 =	sld [smem:$0x3FB4];
	_ =	sdelay $0x3  }
0x36: {  	p1 =	seq.s32 s10, $0x1;
	s10 =	sld [smem:$0x3FB5];
	_ =	sdelay $0x3  }
0x37: {  	[smem:$0x3FB5] =	sst s10  }
0x38: {  	s10 =	sld [smem:$0x3FB6]  }
0x39: {  	_ = 	snop;
	(pc) =	sbr.ind lr, $3  }
0x3a: {  	_ = 	snop  }
0x3b: {  	_ = 	snop  }
0x3c: {  	p2 =	seq.s32 s10, $0x1;
	s10 =	sld [smem:$0x3FB5]  }
0x3d: {  	_ =	shalt  }
0x3e: {  	_ =	shalt  }
0x3f: {  	_ =	shalt  }
0x40: {  	_ =	shalt  }
0x41: {  	_ =	shalt  }
0x42: {  	_ =	shalt  }
0x43: {  	_ =	shalt  }
0x44: {  	_ =	shalt  }
0x45: {  	_ =	shalt  }
0x46: {  	_ =	shalt  }
0x47: {  	_ =	shalt  }
0x48: {  	_ =	shalt  }
0x49: {  	_ =	shalt  }
0x4a: {  	_ =	shalt  }
0x4b: {  	_ =	shalt  }
0x4c: {  	_ =	shalt  }
0x4d: {  	_ =	shalt  }
0x4e: {  	_ =	shalt  }
0x4f: {  	_ =	shalt  }
0x50: {  	_ =	shalt  }
0x51: {  	_ =	shalt  }
0x52: {  	_ =	shalt  }
0x53: {  	_ =	shalt  }
0x54: {  	_ =	shalt  }
0x55: {  	_ =	shalt  }
0x56: {  	_ =	shalt  }
0x57: {  	_ =	shalt  }
0x58: {  	_ =	shalt  }
0x59: {  	_ =	shalt  }
0x5a: {  	_ =	shalt  }
0x5b: {  	_ =	shalt  }
0x5c: {  	_ =	shalt  }
0x5d: {  	_ =	shalt  }
0x5e: {  	_ =	shalt  }
0x5f: {  	_ =	shalt  }
0x60: {  	_ =	shalt  }
0x61: {  	_ =	shalt  }
0x62: {  	_ =	shalt  }
0x63: {  	_ =	shalt  }
0x64: {  	_ =	shalt  }
0x65: {  	_ =	shalt  }
0x66: {  	_ =	shalt  }
0x67: {  	_ =	shalt  }
0x68: {  	_ =	shalt  }
0x69: {  	_ =	shalt  }
0x6a: {  	_ =	shalt  }
0x6b: {  	_ =	shalt  }
0x6c: {  	_ =	shalt  }
0x6d: {  	_ =	shalt  }
0x6e: {  	_ =	shalt  }
0x6f: {  	_ =	shalt  }
0x70: {  	_ =	shalt  }
0x71: {  	_ =	shalt  }
0x72: {  	_ =	shalt  }
0x73: {  	_ =	shalt  }
0x74: {  	_ =	shalt  }
0x75: {  	_ =	shalt  }
0x76: {  	_ =	shalt  }
0x77: {  	_ =	shalt  }
0x78: {  	_ =	shalt  }
0x79: {  	_ =	shalt  }
0x7a: {  	_ =	shalt  }
0x7b: {  	_ =	shalt  }
0x7c: {  	_ =	shalt  }
0x7d: {  	_ =	shalt  }
0x7e: {  	_ =	shalt  }
0x7f: {  	_ =	shalt  }
0x80: {  	_ =	shalt  }
0x81: {  	_ =	shalt  }
0x82: {  	_ =	shalt  }
0x83: {  	_ =	shalt  }
0x84: {  	_ =	shalt  }
0x85: {  	_ =	shalt  }
0x86: {  	_ =	shalt  }
0x87: {  	_ =	shalt  }
.Lfunc_end0:
.L_simem_size_0:
called_computation_lowered:
.L_overlay_start_0:
0x88: {  	s2 =	sld [smem:$0x3FD9]  }
0x89: {  	s3 =	sld [smem:$0x3FFE];
	_ =	sdelay $0x1  }
0x8a: {  	s1 =	srdreg.scid  }
0x8b: {  	s0 =	sand.u32 $0x1, s1  }
0x8c: {  	s17 =	sshll.u32 s0, $0xA;
	s2 =	sadd.s32 s3, s2  }
0x8d: {  	s2 =	sadd.s32 s2, s17  }
0x8e: {  	[smem:$0x3FC1] =	sst s2  }
0x8f: {  	_ = 	snop  }
0x90: {  	s2 =	sld [smem:$0x3FC7];
	(tm) =	ssettm $0x1  }
0x91: {  	s18 =	sld [smem:$0x3FFB];
	_ =	sdelay $0x3  }
0x92: {  	_ =	strace s18  }
0x93: {  	s3 =	sld [smem:$0x3FFC];
	_ =	sdelay $0x3  }
0x94: {  	_ =	strace s3  }
0x95: {  	s3 =	sld [smem:$0x3FFD];
	_ =	sdelay $0x3  }
0x96: {  	_ =	strace s3  }
0x97: {  	_ =	strace $0x8FFFFFFF  }
0x98: {  	s19 =	sld [smem:$0x3FDB];
	_ =	sdelay $0x1  }
0x99: {  	s4 =	simm.s32 $_scs_section_size  }
0x9a: {  	s5 =	simm.s32 $_size__tile_overlayer_lowered;
	s6 =	simm.s32 $_tile_overlayer_lowered  }
0x9b: {  	s22 =	simm.s32 $0x1BFF;
	s21 =	sshll.u32 s6, $0x1;
	s3 =	sadd.s32 s4, s19  }
0x9c: {  	s7 =	simm.s32 $0x0;
	s20 =	sshll.u32 s5, $0x1;
	s5 =	sadd.s32 s21, s3  }
0x9d: {  	[timem:s7], [sflag:s22] =	dma.local [hbm:s5], s20  }
0x9e: {  	_ =	swait.ge [sflag:s22], s20  }
0x9f: {  	s4 =	ssub.s32 $0x0, s20;
	[sflag:s22] =	ssyncset.done $0x0  }
0xa0: {  	[sflag:s22] =	ssyncadd.s32 s4;
	_ =	sdelay $0x1  }
0xa1: {  	s23 =	simm.s32 $0x1B8B  }
0xa2: {  	_ =	swait.ge [sflag:s23], $0x1  }
0xa3: {  	[sflag:s23] =	ssyncset.done $0x0  }
0xa4: {  	s25 =	simm.s32 $0x1B8E;
	s24 =	sld [smem:$0x3FFE];
	[sflag:s23] =	ssyncadd.s32 $0xFFFFFFFF  }
0xa5: {  	s26 =	simm.s32 $execute0_lowered;
	[smem:$0x3FD2] =	sst s25  }
0xa6: {  	s5 =	sshll.u32 s26, $0x1;
	_ =	strace $0x80000046;
	[dreg:$0x1] =	wrdreg $0xFFFFFFFF  }
0xa7: {  	s28 =	simm.s32 $_size_execute0_lowered;
	s3 =	sadd.s32 s3, s5;
	[dreg:$0x0] =	wrdreg $0x0  }
0xa8: {  	s5 =	sshll.u32 s28, $0x1;
	[dreg:$0x2] =	wrdreg s3  }
0xa9: {  	[dreg:$0x3] =	wrdreg s5  }
0xaa: {  	[dreg:$0x4] =	wrdreg $0xC0  }
0xab: {  	_ =	task [dreg:s7], $0x5FFFF  }
0xac: {  	[dreg:$0x1] =	wrdreg $0xFFFFFFFF  }
0xad: {  	[dreg:$0x0] =	wrdreg $0x60  }
0xae: {  	[dreg:$0x2] =	wrdreg s2  }
0xaf: {  	[dreg:$0x3] =	wrdreg s24  }
0xb0: {  	[dreg:$0x4] =	wrdreg $0x9  }
0xb1: {  	_ =	task.clear_ibuf [dreg:s7], $0x5FFFF;
	_ =	strace $0x90000046  }
0xb2: {  	s29 =	simm.s32 $0x9;
	_ =	strace $0x80000048  }
0xb3: {  	_ =	swait.ge [sflag:s29], $0x1  }
0xb4: {  	[sflag:s29] =	ssyncadd.s32 $0xFFFFFFFF  }
0xb5: {  	_ =	strace $0x90000048  }
0xb6: {  	_ =	sfence  }
0xb7: {  	s30 =	sld [smem:$0x0];
	_ =	sdelay $0x2  }
0xb8: {  	s31 =	sshll.u32 s1, $0xD;
	s1 =	sshrl.u32 s1, $0x2  }
0xb9: {  	s3 =	sand.u32 $0x4000, s31;
	s1 =	sadd.s32 s1, s30  }
0xba: {  	s0 =	sor.u32 s3, s0;
	s1 =	sshll.u32 s1, $0x11  }
0xbb: {  	s0 =	sor.u32 s1, s0  }
0xbc: {  	s0 =	sadd.s32 $0x8F2B, s0  }
0xbd: {  	[sflag:s0] =	ssyncadd.remote.s32 $0x1  }
0xbe: {  	_ =	sfence.sel $0xFFFF  }
0xbf: {  	[dreg:$0x0] =	wrdreg $0xFFFFFFFF;
	(pc) =	sbr.abs _section_cstart, $3  }
0xc0: {  	[dreg:$0x1] =	wrdreg $0xFFFFFFFF  }
0xc1: {  	_ =	task.clear_ibuf [dreg:s7], $0x2FFFF;
	_ =	strace $0x9FFFFFFF  }
0xc2: {  	(tm) =	ssettm $0x7FFFFFFF  }
0xc3: {  	_ =	shalt  }
tec
execute0_lowered:
.L_overlay_start_1:
0x0: {  	(tag) =	ssettag $0x1  }
0x1: {  	s1 =	rddreg [dreg:$0x0]  }
0x2: {  	s4 =	rddreg [dreg:$0x1]  }
0x3: {  	s3 =	srdreg.scid;
	s0 =	rddreg [dreg:$0x2];
	s2 =	simm.s32 $0x0  }
.Ltmp0:
0x4: {  	s8 =	simm.s32 $0x2;
	s3 =	sand.u32 $0x1, s3;
	(pc) =	sbr.rel .LBB2_1-.Ltmp0, $4  }
0x5: {  	s9 =	simm.s32 $0xC800;
	s10 =	simm.s32 $0x1;
	s6 =	ssub.s32 $0x2, s3  }
0x6: {  	s11 =	simm.s32 $0x0;
	[smem:$0x7FF] =	sst s2;
	s7 =	sshrl.u32 s6, $0x1  }
0x7: {  	s5 =	sadd.s32 $0xE00, s4;
	s4 =	stileid.u32;
	s7 =	ssub.s32 s6, s7  }
0x8: {  	_ =	strace $0x80000047;
	s6 =	sshll.u32 s4, $0x1;
	s7 =	smax.u32 s7, $0x1  }
.LBB2_7:
0x9: {  	s11 =	sadd.s32 $0x1, s11  }
0xa: {  	p0 =	sne.s32 s11, s7  }
.Ltmp1:
0xb: {  	_ = 	snop;
	(pc) =	sbr.rel @!p0 .LBB2_8-.Ltmp1, $1  }
0xc: {  	_ =	sdelay $0x3  }
.LBB2_1:
.Ltmp2:
0xd: {  	(pc) =	sbr.rel .LBB2_2-.Ltmp2, $2  }
0xe: {  	_ =	sdelay $0x2  }
0xf: {  	s12 =	simm.s32 $0x0  }
.LBB2_6:
0x10: {  	s12 =	sadd.s32 $0x1, s12  }
0x11: {  	p0 =	sne.s32 s12, $0x28  }
.Ltmp3:
0x12: {  	_ = 	snop;
	(pc) =	sbr.rel @!p0 .LBB2_7-.Ltmp3, $1  }
0x13: {  	_ =	sdelay $0x3  }
.LBB2_2:
0x14: {  	s13 =	sshll.u32 s12, $0x5  }
0x15: {  	s13 =	sor.u32 s6, s13  }
0x16: {  	p0 =	sgt.u32 s13, $0x4E1  }
.Ltmp4:
0x17: {  	_ = 	snop;
	(pc) =	sbr.rel @p0 .LBB2_6-.Ltmp4, $1  }
0x18: {  	_ =	sdelay $0x3  }
0x19: {  	s13 =	sor.u32 s3, s13  }
0x1a: {  	s14 =	smul.u32 $0x1900, s13;
	_ =	sdelay $0x1  }
0x1b: {  	s15 =	simm.s32 $0x0;
	s14 =	sadd.s32 s1, s14  }
0x1c: {  	[tilespmem:s15], [sflag:$0x2] =	stream.linear.gather [hbm4b:s14+s15], $0xC800, $0x38;
	[tilespmem:$0xDC00] =	vst v63  }
0x1d: {  	_ =	swait.ge [sflag:s8], $0xC800  }
0x1e: {  	[sflag:s8] =	ssyncset.done $0x0  }
0x1f: {  	s14 =	simm.s32 $0x280;
	[sflag:s8] =	ssyncadd.s32 $0xFFFF3800  }
0x20: {  	v0 =	vld [tilespmem:s14+$0xFFFFFE00]  }
0x21: {  	v1 =	vld [tilespmem:s14+$0xFFFFFD80];
	_ =	sdelay $0x1  }
0x22: {  	v2 =	vld [tilespmem:s14+$0xFFFFFE80];
	_ =	sdelay $0x1  }
0x23: {  	v3 =	vld [tilespmem:s14+$0xFFFFFF00]  }
0x24: {  	v0 =	vadd.f32 v0, v1  }
0x25: {  	v1 =	vld [tilespmem:s14+$0xFFFFFF80]  }
0x26: {  	v0 =	vadd.f32 v2, v0  }
0x27: {  	v2 =	vld [tilespmem:s14+$0x0]  }
0x28: {  	v0 =	vadd.f32 v3, v0  }
0x29: {  	v3 =	vld [tilespmem:s14+$0x80]  }
0x2a: {  	v0 =	vadd.f32 v1, v0  }
0x2b: {  	v1 =	vld [tilespmem:s14+$0x100]  }
0x2c: {  	v0 =	vadd.f32 v2, v0  }
0x2d: {  	v2 =	vld [tilespmem:s14+$0x180]  }
0x2e: {  	v0 =	vadd.f32 v3, v0  }
0x2f: {  	v3 =	vld [tilespmem:s14+$0x200]  }
0x30: {  	v0 =	vadd.f32 v1, v0;
	_ =	sdelay $0x1  }
0x31: {  	v0 =	vadd.f32 v2, v0;
	_ =	sdelay $0x1  }
0x32: {  	v0 =	vadd.f32 v3, v0;
	_ =	sdelay $0x1  }
0x33: {  	v0 =	vmul.f32 $1.000000010e-01, v0  }
0x34: {  	s15 =	simm.s32 $0x0  }
0x35: {  	[tilespmem:s15+$0xC800] =	vst v0  }
0x36: {  	v0 =	vld [tilespmem:s14+$0xFFFFFD90]  }
0x37: {  	v1 =	vld [tilespmem:s14+$0xFFFFFE10];
	_ =	sdelay $0x1  }
0x38: {  	v2 =	vld [tilespmem:s14+$0xFFFFFE90];
	_ =	sdelay $0x1  }
0x39: {  	v3 =	vld [tilespmem:s14+$0xFFFFFF10]  }
0x3a: {  	v0 =	vadd.f32 v1, v0  }
0x3b: {  	v1 =	vld [tilespmem:s14+$0xFFFFFF90]  }
0x3c: {  	v0 =	vadd.f32 v2, v0  }
0x3d: {  	v2 =	vld [tilespmem:s14+$0x10]  }
0x3e: {  	v0 =	vadd.f32 v3, v0  }
0x3f: {  	v3 =	vld [tilespmem:s14+$0x90]  }
0x40: {  	v0 =	vadd.f32 v1, v0  }
0x41: {  	v1 =	vld [tilespmem:s14+$0x110]  }
0x42: {  	v0 =	vadd.f32 v2, v0  }
0x43: {  	v2 =	vld [tilespmem:s14+$0x190]  }
0x44: {  	v0 =	vadd.f32 v3, v0  }
0x45: {  	v3 =	vld [tilespmem:s14+$0x210]  }
0x46: {  	v0 =	vadd.f32 v1, v0;
	_ =	sdelay $0x1  }
0x47: {  	v0 =	vadd.f32 v2, v0;
	_ =	sdelay $0x1  }
0x48: {  	v0 =	vadd.f32 v3, v0;
	_ =	sdelay $0x1  }
0x49: {  	v0 =	vmul.f32 $1.000000010e-01, v0;
	_ =	sdelay $0x1  }
0x4a: {  	[tilespmem:s15+$0xC810] =	vst v0  }
0x4b: {  	v0 =	vld [tilespmem:s14+$0xFFFFFDA0]  }
0x4c: {  	v1 =	vld [tilespmem:s14+$0xFFFFFE20];
	_ =	sdelay $0x1  }
0x4d: {  	v2 =	vld [tilespmem:s14+$0xFFFFFEA0];
	_ =	sdelay $0x1  }
0x4e: {  	v3 =	vld [tilespmem:s14+$0xFFFFFF20]  }
0x4f: {  	v0 =	vadd.f32 v1, v0  }
0x50: {  	v1 =	vld [tilespmem:s14+$0xFFFFFFA0]  }
0x51: {  	v0 =	vadd.f32 v2, v0  }
0x52: {  	v2 =	vld [tilespmem:s14+$0x20]  }
0x53: {  	v0 =	vadd.f32 v3, v0  }
0x54: {  	v3 =	vld [tilespmem:s14+$0xA0]  }
0x55: {  	v0 =	vadd.f32 v1, v0  }
0x56: {  	v1 =	vld [tilespmem:s14+$0x120]  }
0x57: {  	v0 =	vadd.f32 v2, v0  }
0x58: {  	v2 =	vld [tilespmem:s14+$0x1A0]  }
0x59: {  	v0 =	vadd.f32 v3, v0  }
0x5a: {  	v3 =	vld [tilespmem:s14+$0x220]  }
0x5b: {  	v0 =	vadd.f32 v1, v0;
	_ =	sdelay $0x1  }
0x5c: {  	v0 =	vadd.f32 v2, v0;
	_ =	sdelay $0x1  }
0x5d: {  	v0 =	vadd.f32 v3, v0;
	_ =	sdelay $0x1  }
0x5e: {  	v0 =	vmul.f32 $1.000000010e-01, v0;
	_ =	sdelay $0x1  }
0x5f: {  	[tilespmem:s15+$0xC820] =	vst v0  }
0x60: {  	v0 =	vld [tilespmem:s14+$0xFFFFFDB0]  }
0x61: {  	v1 =	vld [tilespmem:s14+$0xFFFFFE30];
	_ =	sdelay $0x1  }
0x62: {  	v2 =	vld [tilespmem:s14+$0xFFFFFEB0];
	_ =	sdelay $0x1  }
0x63: {  	v3 =	vld [tilespmem:s14+$0xFFFFFF30]  }
0x64: {  	v0 =	vadd.f32 v1, v0  }
0x65: {  	v1 =	vld [tilespmem:s14+$0xFFFFFFB0]  }
0x66: {  	v0 =	vadd.f32 v2, v0  }
0x67: {  	v2 =	vld [tilespmem:s14+$0x30]  }
0x68: {  	v0 =	vadd.f32 v3, v0  }
0x69: {  	v3 =	vld [tilespmem:s14+$0xB0]  }
0x6a: {  	v0 =	vadd.f32 v1, v0  }
0x6b: {  	v1 =	vld [tilespmem:s14+$0x130]  }
0x6c: {  	v0 =	vadd.f32 v2, v0  }
0x6d: {  	v2 =	vld [tilespmem:s14+$0x1B0]  }
0x6e: {  	v0 =	vadd.f32 v3, v0  }
0x6f: {  	v3 =	vld [tilespmem:s14+$0x230]  }
0x70: {  	v0 =	vadd.f32 v1, v0;
	_ =	sdelay $0x1  }
0x71: {  	v0 =	vadd.f32 v2, v0;
	_ =	sdelay $0x1  }
0x72: {  	v0 =	vadd.f32 v3, v0;
	_ =	sdelay $0x1  }
0x73: {  	v0 =	vmul.f32 $1.000000010e-01, v0;
	_ =	sdelay $0x1  }
0x74: {  	[tilespmem:s15+$0xC830] =	vst v0  }
0x75: {  	v0 =	vld [tilespmem:s14+$0xFFFFFDC0]  }
0x76: {  	v1 =	vld [tilespmem:s14+$0xFFFFFE40];
	_ =	sdelay $0x1  }
0x77: {  	v2 =	vld [tilespmem:s14+$0xFFFFFEC0];
	_ =	sdelay $0x1  }
0x78: {  	v3 =	vld [tilespmem:s14+$0xFFFFFF40]  }
0x79: {  	v0 =	vadd.f32 v1, v0  }
0x7a: {  	v1 =	vld [tilespmem:s14+$0xFFFFFFC0]  }
0x7b: {  	v0 =	vadd.f32 v2, v0  }
0x7c: {  	v2 =	vld [tilespmem:s14+$0x40]  }
0x7d: {  	v0 =	vadd.f32 v3, v0  }
0x7e: {  	v3 =	vld [tilespmem:s14+$0xC0]  }
0x7f: {  	v0 =	vadd.f32 v1, v0  }
0x80: {  	v1 =	vld [tilespmem:s14+$0x140]  }
0x81: {  	v0 =	vadd.f32 v2, v0  }
0x82: {  	v2 =	vld [tilespmem:s14+$0x1C0]  }
0x83: {  	v0 =	vadd.f32 v3, v0  }
0x84: {  	v3 =	vld [tilespmem:s14+$0x240]  }
0x85: {  	v0 =	vadd.f32 v1, v0;
	_ =	sdelay $0x1  }
0x86: {  	v0 =	vadd.f32 v2, v0;
	_ =	sdelay $0x1  }
0x87: {  	v0 =	vadd.f32 v3, v0;
	_ =	sdelay $0x1  }
0x88: {  	v0 =	vmul.f32 $1.000000010e-01, v0;
	_ =	sdelay $0x1  }
0x89: {  	[tilespmem:s15+$0xC840] =	vst v0  }
0x8a: {  	v0 =	vld [tilespmem:s14+$0xFFFFFDD0]  }
0x8b: {  	v1 =	vld [tilespmem:s14+$0xFFFFFE50];
	_ =	sdelay $0x1  }
0x8c: {  	v2 =	vld [tilespmem:s14+$0xFFFFFED0];
	_ =	sdelay $0x1  }
0x8d: {  	v3 =	vld [tilespmem:s14+$0xFFFFFF50]  }
0x8e: {  	v0 =	vadd.f32 v1, v0  }
0x8f: {  	v1 =	vld [tilespmem:s14+$0xFFFFFFD0]  }
0x90: {  	v0 =	vadd.f32 v2, v0  }
0x91: {  	v2 =	vld [tilespmem:s14+$0x50]  }
0x92: {  	v0 =	vadd.f32 v3, v0  }
0x93: {  	v3 =	vld [tilespmem:s14+$0xD0]  }
0x94: {  	v0 =	vadd.f32 v1, v0  }
0x95: {  	v1 =	vld [tilespmem:s14+$0x150]  }
0x96: {  	v0 =	vadd.f32 v2, v0  }
0x97: {  	v2 =	vld [tilespmem:s14+$0x1D0]  }
0x98: {  	v0 =	vadd.f32 v3, v0  }
0x99: {  	v3 =	vld [tilespmem:s14+$0x250]  }
0x9a: {  	v0 =	vadd.f32 v1, v0;
	_ =	sdelay $0x1  }
0x9b: {  	v0 =	vadd.f32 v2, v0;
	_ =	sdelay $0x1  }
0x9c: {  	v0 =	vadd.f32 v3, v0;
	_ =	sdelay $0x1  }
0x9d: {  	v0 =	vmul.f32 $1.000000010e-01, v0;
	_ =	sdelay $0x1  }
0x9e: {  	[tilespmem:s15+$0xC850] =	vst v0  }
0x9f: {  	v0 =	vld [tilespmem:s14+$0xFFFFFDE0]  }
0xa0: {  	v1 =	vld [tilespmem:s14+$0xFFFFFE60];
	_ =	sdelay $0x1  }
0xa1: {  	v2 =	vld [tilespmem:s14+$0xFFFFFEE0];
	_ =	sdelay $0x1  }
0xa2: {  	v3 =	vld [tilespmem:s14+$0xFFFFFF60]  }
0xa3: {  	v0 =	vadd.f32 v1, v0  }
0xa4: {  	v1 =	vld [tilespmem:s14+$0xFFFFFFE0]  }
0xa5: {  	v0 =	vadd.f32 v2, v0  }
0xa6: {  	v2 =	vld [tilespmem:s14+$0x60]  }
0xa7: {  	v0 =	vadd.f32 v3, v0  }
0xa8: {  	v3 =	vld [tilespmem:s14+$0xE0]  }
0xa9: {  	v0 =	vadd.f32 v1, v0  }
0xaa: {  	v1 =	vld [tilespmem:s14+$0x160]  }
0xab: {  	v0 =	vadd.f32 v2, v0  }
0xac: {  	v2 =	vld [tilespmem:s14+$0x1E0]  }
0xad: {  	v0 =	vadd.f32 v3, v0  }
0xae: {  	v3 =	vld [tilespmem:s14+$0x260]  }
0xaf: {  	v0 =	vadd.f32 v1, v0;
	_ =	sdelay $0x1  }
0xb0: {  	v0 =	vadd.f32 v2, v0;
	_ =	sdelay $0x1  }
0xb1: {  	v0 =	vadd.f32 v3, v0;
	_ =	sdelay $0x1  }
0xb2: {  	v0 =	vmul.f32 $1.000000010e-01, v0;
	_ =	sdelay $0x1  }
0xb3: {  	[tilespmem:s15+$0xC860] =	vst v0  }
0xb4: {  	v0 =	vld [tilespmem:s14+$0xFFFFFDF0]  }
0xb5: {  	v1 =	vld [tilespmem:s14+$0xFFFFFE70];
	_ =	sdelay $0x1  }
0xb6: {  	v2 =	vld [tilespmem:s14+$0xFFFFFEF0];
	_ =	sdelay $0x1  }
0xb7: {  	v3 =	vld [tilespmem:s14+$0xFFFFFF70]  }
0xb8: {  	v0 =	vadd.f32 v1, v0  }
0xb9: {  	v1 =	vld [tilespmem:s14+$0xFFFFFFF0]  }
0xba: {  	v0 =	vadd.f32 v2, v0  }
0xbb: {  	v4 =	vld [tilespmem:s14+$0x70]  }
0xbc: {  	v0 =	vadd.f32 v3, v0  }
0xbd: {  	v3 =	vld [tilespmem:s14+$0xF0]  }
0xbe: {  	v0 =	vadd.f32 v1, v0  }
0xbf: {  	v2 =	vld [tilespmem:s14+$0x170]  }
0xc0: {  	v4 =	vadd.f32 v4, v0  }
0xc1: {  	v0 =	vld [tilespmem:s14+$0x1F0]  }
0xc2: {  	s16 =	simm.s32 $0x200;
	v1 =	vld [tilespmem:s14+$0x270];
	v3 =	vadd.f32 v3, v4  }
.LBB2_4:
0xc3: {  	p0 =	sne.s32 s16, $0x4E00  }
0xc4: {  	s14 =	sadd.s32 $0x500, s14;
	s17 =	smov.u32 s16;
	s16 =	sadd.s32 $0x200, s16;
	v2 =	vadd.f32 v2, v3  }
0xc5: {  	_ = 	snop  }
0xc6: {  	v0 =	vadd.f32 v0, v2;
	_ =	sdelay $0x1  }
0xc7: {  	v0 =	vadd.f32 v1, v0;
	_ =	sdelay $0x1  }
0xc8: {  	v0 =	vmul.f32 $1.000000010e-01, v0;
	_ =	sdelay $0x1  }
0xc9: {  	[tilespmem:s15+$0xC870] =	vst v0  }
0xca: {  	v0 =	vld [tilespmem:s14+$0xFFFFFE00]  }
0xcb: {  	v1 =	vld [tilespmem:s14+$0xFFFFFD80]  }
0xcc: {  	v2 =	vld [tilespmem:s14+$0xFFFFFE80];
	_ =	sdelay $0x2  }
0xcd: {  	v3 =	vld [tilespmem:s14+$0xFFFFFF00]  }
0xce: {  	v0 =	vadd.f32 v0, v1  }
0xcf: {  	v1 =	vld [tilespmem:s14+$0xFFFFFF80]  }
0xd0: {  	v0 =	vadd.f32 v2, v0  }
0xd1: {  	v2 =	vld [tilespmem:s14+$0x0]  }
0xd2: {  	v0 =	vadd.f32 v3, v0  }
0xd3: {  	v3 =	vld [tilespmem:s14+$0x80]  }
0xd4: {  	v0 =	vadd.f32 v1, v0  }
0xd5: {  	v1 =	vld [tilespmem:s14+$0x100]  }
0xd6: {  	v0 =	vadd.f32 v2, v0  }
0xd7: {  	v2 =	vld [tilespmem:s14+$0x180]  }
0xd8: {  	v0 =	vadd.f32 v3, v0  }
0xd9: {  	v3 =	vld [tilespmem:s14+$0x200]  }
0xda: {  	v0 =	vadd.f32 v1, v0;
	_ =	sdelay $0x1  }
0xdb: {  	v0 =	vadd.f32 v2, v0;
	_ =	sdelay $0x1  }
0xdc: {  	v0 =	vadd.f32 v3, v0;
	_ =	sdelay $0x1  }
0xdd: {  	v0 =	vmul.f32 $1.000000010e-01, v0  }
0xde: {  	s15 =	sshra.s32 s17, $0x2  }
0xdf: {  	[tilespmem:s15+$0xC800] =	vst v0  }
0xe0: {  	v0 =	vld [tilespmem:s14+$0xFFFFFD90]  }
0xe1: {  	v1 =	vld [tilespmem:s14+$0xFFFFFE10];
	_ =	sdelay $0x1  }
0xe2: {  	v2 =	vld [tilespmem:s14+$0xFFFFFE90];
	_ =	sdelay $0x1  }
0xe3: {  	v3 =	vld [tilespmem:s14+$0xFFFFFF10]  }
0xe4: {  	v0 =	vadd.f32 v1, v0  }
0xe5: {  	v1 =	vld [tilespmem:s14+$0xFFFFFF90]  }
0xe6: {  	v0 =	vadd.f32 v2, v0  }
0xe7: {  	v2 =	vld [tilespmem:s14+$0x10]  }
0xe8: {  	v0 =	vadd.f32 v3, v0  }
0xe9: {  	v3 =	vld [tilespmem:s14+$0x90]  }
0xea: {  	v0 =	vadd.f32 v1, v0  }
0xeb: {  	v1 =	vld [tilespmem:s14+$0x110]  }
0xec: {  	v0 =	vadd.f32 v2, v0  }
0xed: {  	v2 =	vld [tilespmem:s14+$0x190]  }
0xee: {  	v0 =	vadd.f32 v3, v0  }
0xef: {  	v3 =	vld [tilespmem:s14+$0x210]  }
0xf0: {  	v0 =	vadd.f32 v1, v0;
	_ =	sdelay $0x1  }
0xf1: {  	v0 =	vadd.f32 v2, v0;
	_ =	sdelay $0x1  }
0xf2: {  	v0 =	vadd.f32 v3, v0;
	_ =	sdelay $0x1  }
0xf3: {  	v0 =	vmul.f32 $1.000000010e-01, v0;
	_ =	sdelay $0x1  }
0xf4: {  	[tilespmem:s15+$0xC810] =	vst v0  }
0xf5: {  	v0 =	vld [tilespmem:s14+$0xFFFFFDA0]  }
0xf6: {  	v1 =	vld [tilespmem:s14+$0xFFFFFE20];
	_ =	sdelay $0x1  }
0xf7: {  	v2 =	vld [tilespmem:s14+$0xFFFFFEA0];
	_ =	sdelay $0x1  }
0xf8: {  	v3 =	vld [tilespmem:s14+$0xFFFFFF20]  }
0xf9: {  	v0 =	vadd.f32 v1, v0  }
0xfa: {  	v1 =	vld [tilespmem:s14+$0xFFFFFFA0]  }
0xfb: {  	v0 =	vadd.f32 v2, v0  }
0xfc: {  	v2 =	vld [tilespmem:s14+$0x20]  }
0xfd: {  	v0 =	vadd.f32 v3, v0  }
0xfe: {  	v3 =	vld [tilespmem:s14+$0xA0]  }
0xff: {  	v0 =	vadd.f32 v1, v0  }
0x100: {  	v1 =	vld [tilespmem:s14+$0x120]  }
0x101: {  	v0 =	vadd.f32 v2, v0  }
0x102: {  	v2 =	vld [tilespmem:s14+$0x1A0]  }
0x103: {  	v0 =	vadd.f32 v3, v0  }
0x104: {  	v3 =	vld [tilespmem:s14+$0x220]  }
0x105: {  	v0 =	vadd.f32 v1, v0;
	_ =	sdelay $0x1  }
0x106: {  	v0 =	vadd.f32 v2, v0;
	_ =	sdelay $0x1  }
0x107: {  	v0 =	vadd.f32 v3, v0;
	_ =	sdelay $0x1  }
0x108: {  	v0 =	vmul.f32 $1.000000010e-01, v0;
	_ =	sdelay $0x1  }
0x109: {  	[tilespmem:s15+$0xC820] =	vst v0  }
0x10a: {  	v0 =	vld [tilespmem:s14+$0xFFFFFDB0]  }
0x10b: {  	v1 =	vld [tilespmem:s14+$0xFFFFFE30];
	_ =	sdelay $0x1  }
0x10c: {  	v2 =	vld [tilespmem:s14+$0xFFFFFEB0];
	_ =	sdelay $0x1  }
0x10d: {  	v3 =	vld [tilespmem:s14+$0xFFFFFF30]  }
0x10e: {  	v0 =	vadd.f32 v1, v0  }
0x10f: {  	v1 =	vld [tilespmem:s14+$0xFFFFFFB0]  }
0x110: {  	v0 =	vadd.f32 v2, v0  }
0x111: {  	v2 =	vld [tilespmem:s14+$0x30]  }
0x112: {  	v0 =	vadd.f32 v3, v0  }
0x113: {  	v3 =	vld [tilespmem:s14+$0xB0]  }
0x114: {  	v0 =	vadd.f32 v1, v0  }
0x115: {  	v1 =	vld [tilespmem:s14+$0x130]  }
0x116: {  	v0 =	vadd.f32 v2, v0  }
0x117: {  	v2 =	vld [tilespmem:s14+$0x1B0]  }
0x118: {  	v0 =	vadd.f32 v3, v0  }
0x119: {  	v3 =	vld [tilespmem:s14+$0x230]  }
0x11a: {  	v0 =	vadd.f32 v1, v0;
	_ =	sdelay $0x1  }
0x11b: {  	v0 =	vadd.f32 v2, v0;
	_ =	sdelay $0x1  }
0x11c: {  	v0 =	vadd.f32 v3, v0;
	_ =	sdelay $0x1  }
0x11d: {  	v0 =	vmul.f32 $1.000000010e-01, v0;
	_ =	sdelay $0x1  }
0x11e: {  	[tilespmem:s15+$0xC830] =	vst v0  }
0x11f: {  	v0 =	vld [tilespmem:s14+$0xFFFFFDC0]  }
0x120: {  	v1 =	vld [tilespmem:s14+$0xFFFFFE40];
	_ =	sdelay $0x1  }
0x121: {  	v2 =	vld [tilespmem:s14+$0xFFFFFEC0];
	_ =	sdelay $0x1  }
0x122: {  	v3 =	vld [tilespmem:s14+$0xFFFFFF40]  }
0x123: {  	v0 =	vadd.f32 v1, v0  }
0x124: {  	v1 =	vld [tilespmem:s14+$0xFFFFFFC0]  }
0x125: {  	v0 =	vadd.f32 v2, v0  }
0x126: {  	v2 =	vld [tilespmem:s14+$0x40]  }
0x127: {  	v0 =	vadd.f32 v3, v0  }
0x128: {  	v3 =	vld [tilespmem:s14+$0xC0]  }
0x129: {  	v0 =	vadd.f32 v1, v0  }
0x12a: {  	v1 =	vld [tilespmem:s14+$0x140]  }
0x12b: {  	v0 =	vadd.f32 v2, v0  }
0x12c: {  	v2 =	vld [tilespmem:s14+$0x1C0]  }
0x12d: {  	v0 =	vadd.f32 v3, v0  }
0x12e: {  	v3 =	vld [tilespmem:s14+$0x240]  }
0x12f: {  	v0 =	vadd.f32 v1, v0;
	_ =	sdelay $0x1  }
0x130: {  	v0 =	vadd.f32 v2, v0;
	_ =	sdelay $0x1  }
0x131: {  	v0 =	vadd.f32 v3, v0;
	_ =	sdelay $0x1  }
0x132: {  	v0 =	vmul.f32 $1.000000010e-01, v0;
	_ =	sdelay $0x1  }
0x133: {  	[tilespmem:s15+$0xC840] =	vst v0  }
0x134: {  	v0 =	vld [tilespmem:s14+$0xFFFFFDD0]  }
0x135: {  	v1 =	vld [tilespmem:s14+$0xFFFFFE50]  }
0x136: {  	v2 =	vld [tilespmem:s14+$0xFFFFFED0]  }
0x137: {  	v3 =	vld [tilespmem:s14+$0xFFFFFF50]  }
0x138: {  	v4 =	vld [tilespmem:s14+$0xFFFFFFD0]  }
0x139: {  	v5 =	vld [tilespmem:s14+$0x50]  }
0x13a: {  	v0 =	vadd.f32 v1, v0;
	v1 =	vld [tilespmem:s14+$0xD0]  }
0x13b: {  	v6 =	vld [tilespmem:s14+$0x150]  }
0x13c: {  	v0 =	vadd.f32 v2, v0;
	v2 =	vld [tilespmem:s14+$0x1D0]  }
0x13d: {  	v7 =	vld [tilespmem:s14+$0x250]  }
0x13e: {  	v0 =	vadd.f32 v3, v0;
	_ =	sdelay $0x1  }
0x13f: {  	v0 =	vadd.f32 v4, v0;
	_ =	sdelay $0x1  }
0x140: {  	v0 =	vadd.f32 v5, v0;
	_ =	sdelay $0x1  }
0x141: {  	v0 =	vadd.f32 v1, v0;
	_ =	sdelay $0x1  }
0x142: {  	v0 =	vadd.f32 v6, v0;
	_ =	sdelay $0x1  }
0x143: {  	v0 =	vadd.f32 v2, v0;
	_ =	sdelay $0x1  }
0x144: {  	v0 =	vadd.f32 v7, v0;
	_ =	sdelay $0x1  }
0x145: {  	v0 =	vmul.f32 $1.000000010e-01, v0;
	_ =	sdelay $0x1  }
0x146: {  	[tilespmem:s15+$0xC850] =	vst v0  }
0x147: {  	v0 =	vld [tilespmem:s14+$0xFFFFFDE0]  }
0x148: {  	v1 =	vld [tilespmem:s14+$0xFFFFFE60]  }
0x149: {  	v2 =	vld [tilespmem:s14+$0xFFFFFEE0]  }
0x14a: {  	v3 =	vld [tilespmem:s14+$0xFFFFFF60]  }
0x14b: {  	v4 =	vld [tilespmem:s14+$0xFFFFFFE0]  }
0x14c: {  	v5 =	vld [tilespmem:s14+$0x60]  }
0x14d: {  	v0 =	vadd.f32 v1, v0;
	v1 =	vld [tilespmem:s14+$0xE0]  }
0x14e: {  	v6 =	vld [tilespmem:s14+$0x160]  }
0x14f: {  	v0 =	vadd.f32 v2, v0;
	v2 =	vld [tilespmem:s14+$0x1E0]  }
0x150: {  	v7 =	vld [tilespmem:s14+$0x260]  }
0x151: {  	v0 =	vadd.f32 v3, v0;
	_ =	sdelay $0x1  }
0x152: {  	v0 =	vadd.f32 v4, v0;
	_ =	sdelay $0x1  }
0x153: {  	v0 =	vadd.f32 v5, v0;
	_ =	sdelay $0x1  }
0x154: {  	v0 =	vadd.f32 v1, v0;
	_ =	sdelay $0x1  }
0x155: {  	v0 =	vadd.f32 v6, v0;
	_ =	sdelay $0x1  }
0x156: {  	v0 =	vadd.f32 v2, v0;
	_ =	sdelay $0x1  }
0x157: {  	v0 =	vadd.f32 v7, v0;
	_ =	sdelay $0x1  }
0x158: {  	v0 =	vmul.f32 $1.000000010e-01, v0;
	_ =	sdelay $0x1  }
0x159: {  	[tilespmem:s15+$0xC860] =	vst v0  }
0x15a: {  	v0 =	vld [tilespmem:s14+$0xFFFFFDF0]  }
0x15b: {  	v1 =	vld [tilespmem:s14+$0xFFFFFE70]  }
0x15c: {  	v3 =	vld [tilespmem:s14+$0xFFFFFEF0]  }
0x15d: {  	v4 =	vld [tilespmem:s14+$0xFFFFFF70]  }
0x15e: {  	v5 =	vld [tilespmem:s14+$0xFFFFFFF0]  }
0x15f: {  	v6 =	vld [tilespmem:s14+$0x70]  }
0x160: {  	v0 =	vadd.f32 v1, v0;
	v7 =	vld [tilespmem:s14+$0xF0]  }
0x161: {  	v2 =	vld [tilespmem:s14+$0x170]  }
0x162: {  	v3 =	vadd.f32 v3, v0;
	v0 =	vld [tilespmem:s14+$0x1F0]  }
0x163: {  	v1 =	vld [tilespmem:s14+$0x270]  }
0x164: {  	v3 =	vadd.f32 v4, v3;
	_ =	sdelay $0x1  }
.Ltmp5:
0x165: {  	v3 =	vadd.f32 v5, v3;
	(pc) =	sbr.rel @p0 .LBB2_4-.Ltmp5, $3  }
0x166: {  	_ = 	snop  }
0x167: {  	v3 =	vadd.f32 v6, v3;
	_ =	sdelay $0x1  }
0x168: {  	v3 =	vadd.f32 v7, v3  }
0x169: {  	_ = 	snop  }
0x16a: {  	v2 =	vadd.f32 v2, v3;
	_ =	sdelay $0x1  }
0x16b: {  	v0 =	vadd.f32 v0, v2;
	_ =	sdelay $0x1  }
0x16c: {  	v0 =	vadd.f32 v1, v0;
	_ =	sdelay $0x1  }
0x16d: {  	s13 =	smul.u32 $0x280, s13;
	v0 =	vmul.f32 $1.000000010e-01, v0;
	_ =	sdelay $0x1  }
.Ltmp6:
0x16e: {  	s13 =	sadd.s32 s5, s13;
	[tilespmem:s15+$0xC870] =	vst v0;
	(pc) =	sbr.rel .LBB2_6-.Ltmp6, $4  }
0x16f: {  	[hbm4b:s13+s2] =	stream.linear.scatter [tilespmem:s9], [sflag:$0x1], $0x1400, $0x38;
	[tilespmem:$0xDC00] =	vst v63  }
0x170: {  	_ =	swait.ge [sflag:s10], $0x1400  }
0x171: {  	[sflag:s10] =	ssyncset.done $0x0  }
0x172: {  	[sflag:s10] =	ssyncadd.s32 $0xFFFFEC00  }
.LBB2_8:
0x173: {  	_ =	sfence.sel $0x180000  }
0x174: {  	[bflag:$0x0] =	sbarrier.arrive $0xFFFF  }
0x175: {  	p0 =	sne.s32 s4, $0x0;
	_ =	strace $0x90000047  }
0x176: {  	s0 =	sadd.s32 @!p0 $0x100000, s0;
	[bflag:$0x2] =	sbarrier.arrive $0xFFFF  }
0x177: {  	[sflag:s0] =	ssyncadd.tile.s32 @!p0 $0x1;
	_ =	shalt  }
.Lfunc_end2:
_tile_overlayer_lowered:
.L_overlay_start_2:
0x178: {  	(tag) =	ssettag $0x2  }
0x179: {  	s0 =	rddreg [dreg:$0x0];
	s2 =	stileid.u32  }
0x17a: {  	s1 =	rddreg [dreg:$0x1];
	p0 =	sne.s32 s2, $0x0  }
0x17b: {  	s3 =	rddreg [dreg:$0x2];
	[bflag:$0x3] =	sbarrier.arrive $0xFFFF;
	s2 =	simm.s32 @!p0 $0x1C01  }
0x17c: {  	[timem:s3], [sflag:s2] =	dma.local @!p0 [hbm:s0], s1  }
0x17d: {  	s0 =	simm.s32 @!p0 $0x1  }
0x17e: {  	_ =	swait.ge @!p0 [sflag:s0], s1  }
0x17f: {  	s1 =	ssub.s32 @!p0 $0x0, s1;
	[sflag:s0] =	ssyncset.done @!p0 $0x0  }
0x180: {  	[sflag:s0] =	ssyncadd.s32 @!p0 s1  }
0x181: {  	[bflag:$0x3] =	sbarrier.arrive $0xFFFF  }
0x182: {  	_ =	shalt  }

</sc_bundles>
